<compile_context>
chip_gen: v7x
topology: tpu7x:2x2x1
jax: 0.10.2.dev20260603
libtpu: 0.0.44.dev20260713+nightly
codegen_flags: <defaults>
</compile_context>

<pallas_src>
import functools

import jax
import jax.numpy as jnp
from jax import lax
from jax.experimental import pallas as pl
from jax.experimental.pallas import tpu as pltpu
from jax.experimental.pallas import tpu_sc as plsc

_NUM_CORES = 2
_NUM_SUBCORES = 16


@jax.jit
def _gather(memory, keys):
    B, = keys.shape
    V, D = memory.shape
    nw = _NUM_CORES * _NUM_SUBCORES
    b_per_w = B // nw
    n_blocks = b_per_w // 16
    out_rows = B * D // 128
    rows_per_w = out_rows // nw
    mesh = plsc.VectorSubcoreMesh(core_axis_name="c", subcore_axis_name="s")

    @functools.partial(
        pl.kernel,
        mesh=mesh,
        out_type=jax.ShapeDtypeStruct((out_rows, 128), jnp.float32),
        scratch_types=[
            pltpu.VMEM((b_per_w,), jnp.int32),
            pltpu.VMEM((b_per_w, D), jnp.float32),
            pltpu.VMEM((rows_per_w, 128), jnp.float32),
            pltpu.SemaphoreType.DMA,
        ],
    )
    def gather_kernel(table_hbm, idx_hbm, out_hbm, idx_v, rows_v, rows2, sem):
        wid = lax.axis_index("s") * _NUM_CORES + lax.axis_index("c")
        base = wid * b_per_w
        pltpu.sync_copy(idx_hbm.at[pl.ds(base, b_per_w)], idx_v)

        def fire_block(b, carry):
            kvec = idx_v[pl.ds(b * 16, 16)]
            for u in range(16):
                pltpu.async_copy(
                    table_hbm.at[pl.ds(kvec[u], 1), :],
                    rows_v.at[pl.ds(b * 16 + u, 1), :],
                    sem,
                )
            return carry

        lax.fori_loop(0, n_blocks, fire_block, 0)

        def drain_block(b, carry):
            for u in range(16):
                pltpu.make_async_copy(
                    table_hbm.at[pl.ds(0, 1), :],
                    rows_v.at[pl.ds(b * 16 + u, 1), :],
                    sem,
                ).wait()
            return carry

        lax.fori_loop(0, n_blocks, drain_block, 0)

        def repack(q, carry):
            for h in range(D // 16):
                rows2[q, pl.ds(h * 16, 16)] = rows_v[2 * q, pl.ds(h * 16, 16)]
                rows2[q, pl.ds(D + h * 16, 16)] = rows_v[
                    2 * q + 1, pl.ds(h * 16, 16)
                ]
            return carry

        lax.fori_loop(0, rows_per_w, repack, 0)
        pltpu.sync_copy(rows2, out_hbm.at[pl.ds(wid * rows_per_w, rows_per_w)])

    out_packed = gather_kernel(memory, keys)
    return out_packed.reshape(B, D)


def kernel(memory, keys):
    return _gather(memory, keys)

# --- scband reference (transcript-rebuilt; emitter-appended) ---
"""Pipeline reference for scband-memory-74526272520993 (READ-ONLY COPY).

The authoritative reference and input builder live on the scoring server;
editing this copy changes nothing except your own understanding.
"""

import jax, jax.numpy as jnp
import numpy as np

NUM_SLOTS = 1000000
MEMORY_SIZE = 64
BATCH = 16384

def setup_inputs(seed: int = 0) -> dict:
    key = jax.random.key(seed)
    k_mem, k_keys = jax.random.split(key)
    # Learned/stateful memory buffer sized per init_kwargs (num_slots, memory_size).
    memory = jax.random.normal(k_mem, (NUM_SLOTS, MEMORY_SIZE), dtype=jnp.float32)
    # keys: int indices into memory slots, values in [0, num_slots).
    keys = jax.random.randint(k_keys, (BATCH,), 0, NUM_SLOTS, dtype=jnp.int32)
    return {"memory": memory, "keys": keys}

def reference(memory, keys):
    # Faithful translation of Memory.forward -> self.get(keys) -> self.memory[keys]
    # Pure row-gather from the memory buffer.
    return jnp.take(memory, keys, axis=0)

if __name__ == "__main__":
    import jax
    _d = setup_inputs()
    print(jax.jit(kernel)(*tuple(_d.values())))

</pallas_src>

<mosaic_0001>
#map = affine_map<(d0, d1) -> (0, 0)>
#map1 = affine_map<(d0, d1) -> (0)>
module attributes {stable_mosaic.version = 14 : i64} {
  func.func @gather_kernel(%arg0: i32, %arg1: i32, %arg2: memref<1000000x64xf32, #tpu.memory_space<hbm>>, %arg3: memref<16384xi32, #tpu.memory_space<hbm>>, %arg4: memref<8192x128xf32, #tpu.memory_space<hbm>>, %arg5: memref<512xi32, #tpu.memory_space<vmem>>, %arg6: memref<512x64xf32, #tpu.memory_space<vmem>>, %arg7: memref<256x128xf32, #tpu.memory_space<vmem>>, %arg8: memref<!tpu.dma_semaphore, #tpu.memory_space<semaphore_mem>>) attributes {dimension_semantics = [#tpu.dimension_semantics<core_parallel>, #tpu.dimension_semantics<subcore_parallel>], iteration_bounds = array<i64: 2, 16>, scalar_prefetch = 0 : i64, scratch_operands = 4 : i64, tpu.core_type = #tpu.core_type<sc_vector_subcore>, window_params = [{transform_indices = #map}, {transform_indices = #map1}, {transform_indices = #map}]} {
    %mul3A = arith.constant 2 : i32
    %mul3A_0 = arith.muli %arg1, %mul3A : i32
    %add3A = arith.addi %mul3A_0, %arg0 : i32
    %mul3A_1 = arith.constant 512 : i32
    %mul3A_2 = arith.muli %add3A, %mul3A_1 : i32
    "tpu.region"() ({
      %run_scoped3A = tpu.sem_alloc : memref<!tpu.dma_semaphore, #tpu.memory_space<semaphore_mem>>
      %dma_start3A = tpu.memref_slice %arg3[%mul3A_2] : memref<16384xi32, #tpu.memory_space<hbm>> -> memref<512xi32, #tpu.memory_space<hbm>>
      %dma_start3A_22 = tpu.memref_slice %arg3[%mul3A_2] : memref<16384xi32, #tpu.memory_space<hbm>> -> memref<512xi32, #tpu.memory_space<hbm>>
      tpu.enqueue_dma source(%dma_start3A_22 : memref<512xi32, #tpu.memory_space<hbm>>) target(%arg5 : memref<512xi32, #tpu.memory_space<vmem>>) target_semaphore(%run_scoped3A : memref<!tpu.dma_semaphore, #tpu.memory_space<semaphore_mem>>)
      %dma_wait3A = tpu.memref_slice %arg3[%mul3A_2] : memref<16384xi32, #tpu.memory_space<hbm>> -> memref<512xi32, #tpu.memory_space<hbm>>
      %dma_wait3A_23 = tpu.memref_slice %arg3[%mul3A_2] : memref<16384xi32, #tpu.memory_space<hbm>> -> memref<512xi32, #tpu.memory_space<hbm>>
      tpu.wait_dma2 semaphore(%run_scoped3A : memref<!tpu.dma_semaphore, #tpu.memory_space<semaphore_mem>>) src(%dma_wait3A_23 : memref<512xi32, #tpu.memory_space<hbm>>) dst(%arg5 : memref<512xi32, #tpu.memory_space<vmem>>)
      tpu.yield
    }) : () -> ()
    %scan3A = arith.constant 0 : i32
    %scan3A_3 = arith.constant 0 : i32
    %scan3A_4 = arith.constant 32 : i32
    %scan3A_5 = arith.addi %scan3A_3, %scan3A_4 : i32
    %scan3A_6 = arith.constant 1 : i32
    scf.for %scan3A_22 = %scan3A_3 to %scan3A_5 step %scan3A_6  : i32 {
      %mul3A_23 = arith.constant 16 : i32
      %mul3A_24 = arith.muli %scan3A_22, %mul3A_23 : i32
      %get3A = arith.index_cast %mul3A_24 : i32 to index
      %get3A_25 = tpu.vector_load %arg5[%get3A] {strides = array<i32>} : memref<512xi32, #tpu.memory_space<vmem>>, vector<16xi32>,
      %get3A_26 = vector.shape_cast %get3A_25 : vector<16xi32> to vector<16xi32>
      %slice3A = vector.extract_strided_slice %get3A_26 {offsets = [0], sizes = [1], strides = [1]} : vector<16xi32> to vector<1xi32>
      %squeeze3A = vector.extract %slice3A[0] : i32 from vector<1xi32>
      %mul3A_27 = arith.constant 16 : i32
      %mul3A_28 = arith.muli %scan3A_22, %mul3A_27 : i32
      %add3A_29 = arith.constant 0 : i32
      %add3A_30 = arith.addi %mul3A_28, %add3A_29 : i32
      %dma_start3A = arith.constant 0 : i32
      %dma_start3A_31 = tpu.memref_slice %arg6[%add3A_30, %dma_start3A] : memref<512x64xf32, #tpu.memory_space<vmem>> -> memref<1x64xf32, #tpu.memory_space<vmem>>
      %dma_start3A_32 = arith.constant 0 : i32
      %dma_start3A_33 = tpu.memref_slice %arg2[%squeeze3A, %dma_start3A_32] : memref<1000000x64xf32, #tpu.memory_space<hbm>> -> memref<1x64xf32, #tpu.memory_space<hbm>>
      %dma_start3A_34 = arith.constant 0 : i32
      %dma_start3A_35 = tpu.memref_slice %arg6[%add3A_30, %dma_start3A_34] : memref<512x64xf32, #tpu.memory_space<vmem>> -> memref<1x64xf32, #tpu.memory_space<vmem>>
      %dma_start3A_36 = arith.constant 0 : i32
      %dma_start3A_37 = tpu.memref_slice %arg2[%squeeze3A, %dma_start3A_36] : memref<1000000x64xf32, #tpu.memory_space<hbm>> -> memref<1x64xf32, #tpu.memory_space<hbm>>
      tpu.enqueue_dma source(%dma_start3A_37 : memref<1x64xf32, #tpu.memory_space<hbm>>) target(%dma_start3A_35 : memref<1x64xf32, #tpu.memory_space<vmem>>) target_semaphore(%arg8 : memref<!tpu.dma_semaphore, #tpu.memory_space<semaphore_mem>>)
      %slice3A_38 = vector.extract_strided_slice %get3A_26 {offsets = [1], sizes = [1], strides = [1]} : vector<16xi32> to vector<1xi32>
      %squeeze3A_39 = vector.extract %slice3A_38[0] : i32 from vector<1xi32>
      %mul3A_40 = arith.constant 16 : i32
      %mul3A_41 = arith.muli %scan3A_22, %mul3A_40 : i32
      %add3A_42 = arith.constant 1 : i32
      %add3A_43 = arith.addi %mul3A_41, %add3A_42 : i32
      %dma_start3A_44 = arith.constant 0 : i32
      %dma_start3A_45 = tpu.memref_slice %arg6[%add3A_43, %dma_start3A_44] : memref<512x64xf32, #tpu.memory_space<vmem>> -> memref<1x64xf32, #tpu.memory_space<vmem>>
      %dma_start3A_46 = arith.constant 0 : i32
      %dma_start3A_47 = tpu.memref_slice %arg2[%squeeze3A_39, %dma_start3A_46] : memref<1000000x64xf32, #tpu.memory_space<hbm>> -> memref<1x64xf32, #tpu.memory_space<hbm>>
      %dma_start3A_48 = arith.constant 0 : i32
      %dma_start3A_49 = tpu.memref_slice %arg6[%add3A_43, %dma_start3A_48] : memref<512x64xf32, #tpu.memory_space<vmem>> -> memref<1x64xf32, #tpu.memory_space<vmem>>
      %dma_start3A_50 = arith.constant 0 : i32
      %dma_start3A_51 = tpu.memref_slice %arg2[%squeeze3A_39, %dma_start3A_50] : memref<1000000x64xf32, #tpu.memory_space<hbm>> -> memref<1x64xf32, #tpu.memory_space<hbm>>
      tpu.enqueue_dma source(%dma_start3A_51 : memref<1x64xf32, #tpu.memory_space<hbm>>) target(%dma_start3A_49 : memref<1x64xf32, #tpu.memory_space<vmem>>) target_semaphore(%arg8 : memref<!tpu.dma_semaphore, #tpu.memory_space<semaphore_mem>>)
      %slice3A_52 = vector.extract_strided_slice %get3A_26 {offsets = [2], sizes = [1], strides = [1]} : vector<16xi32> to vector<1xi32>
      %squeeze3A_53 = vector.extract %slice3A_52[0] : i32 from vector<1xi32>
      %mul3A_54 = arith.constant 16 : i32
      %mul3A_55 = arith.muli %scan3A_22, %mul3A_54 : i32
      %add3A_56 = arith.constant 2 : i32
      %add3A_57 = arith.addi %mul3A_55, %add3A_56 : i32
      %dma_start3A_58 = arith.constant 0 : i32
      %dma_start3A_59 = tpu.memref_slice %arg6[%add3A_57, %dma_start3A_58] : memref<512x64xf32, #tpu.memory_space<vmem>> -> memref<1x64xf32, #tpu.memory_space<vmem>>
      %dma_start3A_60 = arith.constant 0 : i32
      %dma_start3A_61 = tpu.memref_slice %arg2[%squeeze3A_53, %dma_start3A_60] : memref<1000000x64xf32, #tpu.memory_space<hbm>> -> memref<1x64xf32, #tpu.memory_space<hbm>>
      %dma_start3A_62 = arith.constant 0 : i32
      %dma_start3A_63 = tpu.memref_slice %arg6[%add3A_57, %dma_start3A_62] : memref<512x64xf32, #tpu.memory_space<vmem>> -> memref<1x64xf32, #tpu.memory_space<vmem>>
      %dma_start3A_64 = arith.constant 0 : i32
      %dma_start3A_65 = tpu.memref_slice %arg2[%squeeze3A_53, %dma_start3A_64] : memref<1000000x64xf32, #tpu.memory_space<hbm>> -> memref<1x64xf32, #tpu.memory_space<hbm>>
      tpu.enqueue_dma source(%dma_start3A_65 : memref<1x64xf32, #tpu.memory_space<hbm>>) target(%dma_start3A_63 : memref<1x64xf32, #tpu.memory_space<vmem>>) target_semaphore(%arg8 : memref<!tpu.dma_semaphore, #tpu.memory_space<semaphore_mem>>)
      %slice3A_66 = vector.extract_strided_slice %get3A_26 {offsets = [3], sizes = [1], strides = [1]} : vector<16xi32> to vector<1xi32>
      %squeeze3A_67 = vector.extract %slice3A_66[0] : i32 from vector<1xi32>
      %mul3A_68 = arith.constant 16 : i32
      %mul3A_69 = arith.muli %scan3A_22, %mul3A_68 : i32
      %add3A_70 = arith.constant 3 : i32
      %add3A_71 = arith.addi %mul3A_69, %add3A_70 : i32
      %dma_start3A_72 = arith.constant 0 : i32
      %dma_start3A_73 = tpu.memref_slice %arg6[%add3A_71, %dma_start3A_72] : memref<512x64xf32, #tpu.memory_space<vmem>> -> memref<1x64xf32, #tpu.memory_space<vmem>>
      %dma_start3A_74 = arith.constant 0 : i32
      %dma_start3A_75 = tpu.memref_slice %arg2[%squeeze3A_67, %dma_start3A_74] : memref<1000000x64xf32, #tpu.memory_space<hbm>> -> memref<1x64xf32, #tpu.memory_space<hbm>>
      %dma_start3A_76 = arith.constant 0 : i32
      %dma_start3A_77 = tpu.memref_slice %arg6[%add3A_71, %dma_start3A_76] : memref<512x64xf32, #tpu.memory_space<vmem>> -> memref<1x64xf32, #tpu.memory_space<vmem>>
      %dma_start3A_78 = arith.constant 0 : i32
      %dma_start3A_79 = tpu.memref_slice %arg2[%squeeze3A_67, %dma_start3A_78] : memref<1000000x64xf32, #tpu.memory_space<hbm>> -> memref<1x64xf32, #tpu.memory_space<hbm>>
      tpu.enqueue_dma source(%dma_start3A_79 : memref<1x64xf32, #tpu.memory_space<hbm>>) target(%dma_start3A_77 : memref<1x64xf32, #tpu.memory_space<vmem>>) target_semaphore(%arg8 : memref<!tpu.dma_semaphore, #tpu.memory_space<semaphore_mem>>)
      %slice3A_80 = vector.extract_strided_slice %get3A_26 {offsets = [4], sizes = [1], strides = [1]} : vector<16xi32> to vector<1xi32>
      %squeeze3A_81 = vector.extract %slice3A_80[0] : i32 from vector<1xi32>
      %mul3A_82 = arith.constant 16 : i32
      %mul3A_83 = arith.muli %scan3A_22, %mul3A_82 : i32
      %add3A_84 = arith.constant 4 : i32
      %add3A_85 = arith.addi %mul3A_83, %add3A_84 : i32
      %dma_start3A_86 = arith.constant 0 : i32
      %dma_start3A_87 = tpu.memref_slice %arg6[%add3A_85, %dma_start3A_86] : memref<512x64xf32, #tpu.memory_space<vmem>> -> memref<1x64xf32, #tpu.memory_space<vmem>>
      %dma_start3A_88 = arith.constant 0 : i32
      %dma_start3A_89 = tpu.memref_slice %arg2[%squeeze3A_81, %dma_start3A_88] : memref<1000000x64xf32, #tpu.memory_space<hbm>> -> memref<1x64xf32, #tpu.memory_space<hbm>>
      %dma_start3A_90 = arith.constant 0 : i32
      %dma_start3A_91 = tpu.memref_slice %arg6[%add3A_85, %dma_start3A_90] : memref<512x64xf32, #tpu.memory_space<vmem>> -> memref<1x64xf32, #tpu.memory_space<vmem>>
      %dma_start3A_92 = arith.constant 0 : i32
      %dma_start3A_93 = tpu.memref_slice %arg2[%squeeze3A_81, %dma_start3A_92] : memref<1000000x64xf32, #tpu.memory_space<hbm>> -> memref<1x64xf32, #tpu.memory_space<hbm>>
      tpu.enqueue_dma source(%dma_start3A_93 : memref<1x64xf32, #tpu.memory_space<hbm>>) target(%dma_start3A_91 : memref<1x64xf32, #tpu.memory_space<vmem>>) target_semaphore(%arg8 : memref<!tpu.dma_semaphore, #tpu.memory_space<semaphore_mem>>)
      %slice3A_94 = vector.extract_strided_slice %get3A_26 {offsets = [5], sizes = [1], strides = [1]} : vector<16xi32> to vector<1xi32>
      %squeeze3A_95 = vector.extract %slice3A_94[0] : i32 from vector<1xi32>
      %mul3A_96 = arith.constant 16 : i32
      %mul3A_97 = arith.muli %scan3A_22, %mul3A_96 : i32
      %add3A_98 = arith.constant 5 : i32
      %add3A_99 = arith.addi %mul3A_97, %add3A_98 : i32
      %dma_start3A_100 = arith.constant 0 : i32
      %dma_start3A_101 = tpu.memref_slice %arg6[%add3A_99, %dma_start3A_100] : memref<512x64xf32, #tpu.memory_space<vmem>> -> memref<1x64xf32, #tpu.memory_space<vmem>>
      %dma_start3A_102 = arith.constant 0 : i32
      %dma_start3A_103 = tpu.memref_slice %arg2[%squeeze3A_95, %dma_start3A_102] : memref<1000000x64xf32, #tpu.memory_space<hbm>> -> memref<1x64xf32, #tpu.memory_space<hbm>>
      %dma_start3A_104 = arith.constant 0 : i32
      %dma_start3A_105 = tpu.memref_slice %arg6[%add3A_99, %dma_start3A_104] : memref<512x64xf32, #tpu.memory_space<vmem>> -> memref<1x64xf32, #tpu.memory_space<vmem>>
      %dma_start3A_106 = arith.constant 0 : i32
      %dma_start3A_107 = tpu.memref_slice %arg2[%squeeze3A_95, %dma_start3A_106] : memref<1000000x64xf32, #tpu.memory_space<hbm>> -> memref<1x64xf32, #tpu.memory_space<hbm>>
      tpu.enqueue_dma source(%dma_start3A_107 : memref<1x64xf32, #tpu.memory_space<hbm>>) target(%dma_start3A_105 : memref<1x64xf32, #tpu.memory_space<vmem>>) target_semaphore(%arg8 : memref<!tpu.dma_semaphore, #tpu.memory_space<semaphore_mem>>)
      %slice3A_108 = vector.extract_strided_slice %get3A_26 {offsets = [6], sizes = [1], strides = [1]} : vector<16xi32> to vector<1xi32>
      %squeeze3A_109 = vector.extract %slice3A_108[0] : i32 from vector<1xi32>
      %mul3A_110 = arith.constant 16 : i32
      %mul3A_111 = arith.muli %scan3A_22, %mul3A_110 : i32
      %add3A_112 = arith.constant 6 : i32
      %add3A_113 = arith.addi %mul3A_111, %add3A_112 : i32
      %dma_start3A_114 = arith.constant 0 : i32
      %dma_start3A_115 = tpu.memref_slice %arg6[%add3A_113, %dma_start3A_114] : memref<512x64xf32, #tpu.memory_space<vmem>> -> memref<1x64xf32, #tpu.memory_space<vmem>>
      %dma_start3A_116 = arith.constant 0 : i32
      %dma_start3A_117 = tpu.memref_slice %arg2[%squeeze3A_109, %dma_start3A_116] : memref<1000000x64xf32, #tpu.memory_space<hbm>> -> memref<1x64xf32, #tpu.memory_space<hbm>>
      %dma_start3A_118 = arith.constant 0 : i32
      %dma_start3A_119 = tpu.memref_slice %arg6[%add3A_113, %dma_start3A_118] : memref<512x64xf32, #tpu.memory_space<vmem>> -> memref<1x64xf32, #tpu.memory_space<vmem>>
      %dma_start3A_120 = arith.constant 0 : i32
      %dma_start3A_121 = tpu.memref_slice %arg2[%squeeze3A_109, %dma_start3A_120] : memref<1000000x64xf32, #tpu.memory_space<hbm>> -> memref<1x64xf32, #tpu.memory_space<hbm>>
      tpu.enqueue_dma source(%dma_start3A_121 : memref<1x64xf32, #tpu.memory_space<hbm>>) target(%dma_start3A_119 : memref<1x64xf32, #tpu.memory_space<vmem>>) target_semaphore(%arg8 : memref<!tpu.dma_semaphore, #tpu.memory_space<semaphore_mem>>)
      %slice3A_122 = vector.extract_strided_slice %get3A_26 {offsets = [7], sizes = [1], strides = [1]} : vector<16xi32> to vector<1xi32>
      %squeeze3A_123 = vector.extract %slice3A_122[0] : i32 from vector<1xi32>
      %mul3A_124 = arith.constant 16 : i32
      %mul3A_125 = arith.muli %scan3A_22, %mul3A_124 : i32
      %add3A_126 = arith.constant 7 : i32
      %add3A_127 = arith.addi %mul3A_125, %add3A_126 : i32
      %dma_start3A_128 = arith.constant 0 : i32
      %dma_start3A_129 = tpu.memref_slice %arg6[%add3A_127, %dma_start3A_128] : memref<512x64xf32, #tpu.memory_space<vmem>> -> memref<1x64xf32, #tpu.memory_space<vmem>>
      %dma_start3A_130 = arith.constant 0 : i32
      %dma_start3A_131 = tpu.memref_slice %arg2[%squeeze3A_123, %dma_start3A_130] : memref<1000000x64xf32, #tpu.memory_space<hbm>> -> memref<1x64xf32, #tpu.memory_space<hbm>>
      %dma_start3A_132 = arith.constant 0 : i32
      %dma_start3A_133 = tpu.memref_slice %arg6[%add3A_127, %dma_start3A_132] : memref<512x64xf32, #tpu.memory_space<vmem>> -> memref<1x64xf32, #tpu.memory_space<vmem>>
      %dma_start3A_134 = arith.constant 0 : i32
      %dma_start3A_135 = tpu.memref_slice %arg2[%squeeze3A_123, %dma_start3A_134] : memref<1000000x64xf32, #tpu.memory_space<hbm>> -> memref<1x64xf32, #tpu.memory_space<hbm>>
      tpu.enqueue_dma source(%dma_start3A_135 : memref<1x64xf32, #tpu.memory_space<hbm>>) target(%dma_start3A_133 : memref<1x64xf32, #tpu.memory_space<vmem>>) target_semaphore(%arg8 : memref<!tpu.dma_semaphore, #tpu.memory_space<semaphore_mem>>)
      %slice3A_136 = vector.extract_strided_slice %get3A_26 {offsets = [8], sizes = [1], strides = [1]} : vector<16xi32> to vector<1xi32>
      %squeeze3A_137 = vector.extract %slice3A_136[0] : i32 from vector<1xi32>
      %mul3A_138 = arith.constant 16 : i32
      %mul3A_139 = arith.muli %scan3A_22, %mul3A_138 : i32
      %add3A_140 = arith.constant 8 : i32
      %add3A_141 = arith.addi %mul3A_139, %add3A_140 : i32
      %dma_start3A_142 = arith.constant 0 : i32
      %dma_start3A_143 = tpu.memref_slice %arg6[%add3A_141, %dma_start3A_142] : memref<512x64xf32, #tpu.memory_space<vmem>> -> memref<1x64xf32, #tpu.memory_space<vmem>>
      %dma_start3A_144 = arith.constant 0 : i32
      %dma_start3A_145 = tpu.memref_slice %arg2[%squeeze3A_137, %dma_start3A_144] : memref<1000000x64xf32, #tpu.memory_space<hbm>> -> memref<1x64xf32, #tpu.memory_space<hbm>>
      %dma_start3A_146 = arith.constant 0 : i32
      %dma_start3A_147 = tpu.memref_slice %arg6[%add3A_141, %dma_start3A_146] : memref<512x64xf32, #tpu.memory_space<vmem>> -> memref<1x64xf32, #tpu.memory_space<vmem>>
      %dma_start3A_148 = arith.constant 0 : i32
      %dma_start3A_149 = tpu.memref_slice %arg2[%squeeze3A_137, %dma_start3A_148] : memref<1000000x64xf32, #tpu.memory_space<hbm>> -> memref<1x64xf32, #tpu.memory_space<hbm>>
      tpu.enqueue_dma source(%dma_start3A_149 : memref<1x64xf32, #tpu.memory_space<hbm>>) target(%dma_start3A_147 : memref<1x64xf32, #tpu.memory_space<vmem>>) target_semaphore(%arg8 : memref<!tpu.dma_semaphore, #tpu.memory_space<semaphore_mem>>)
      %slice3A_150 = vector.extract_strided_slice %get3A_26 {offsets = [9], sizes = [1], strides = [1]} : vector<16xi32> to vector<1xi32>
      %squeeze3A_151 = vector.extract %slice3A_150[0] : i32 from vector<1xi32>
      %mul3A_152 = arith.constant 16 : i32
      %mul3A_153 = arith.muli %scan3A_22, %mul3A_152 : i32
      %add3A_154 = arith.constant 9 : i32
      %add3A_155 = arith.addi %mul3A_153, %add3A_154 : i32
      %dma_start3A_156 = arith.constant 0 : i32
      %dma_start3A_157 = tpu.memref_slice %arg6[%add3A_155, %dma_start3A_156] : memref<512x64xf32, #tpu.memory_space<vmem>> -> memref<1x64xf32, #tpu.memory_space<vmem>>
      %dma_start3A_158 = arith.constant 0 : i32
      %dma_start3A_159 = tpu.memref_slice %arg2[%squeeze3A_151, %dma_start3A_158] : memref<1000000x64xf32, #tpu.memory_space<hbm>> -> memref<1x64xf32, #tpu.memory_space<hbm>>
      %dma_start3A_160 = arith.constant 0 : i32
      %dma_start3A_161 = tpu.memref_slice %arg6[%add3A_155, %dma_start3A_160] : memref<512x64xf32, #tpu.memory_space<vmem>> -> memref<1x64xf32, #tpu.memory_space<vmem>>
      %dma_start3A_162 = arith.constant 0 : i32
      %dma_start3A_163 = tpu.memref_slice %arg2[%squeeze3A_151, %dma_start3A_162] : memref<1000000x64xf32, #tpu.memory_space<hbm>> -> memref<1x64xf32, #tpu.memory_space<hbm>>
      tpu.enqueue_dma source(%dma_start3A_163 : memref<1x64xf32, #tpu.memory_space<hbm>>) target(%dma_start3A_161 : memref<1x64xf32, #tpu.memory_space<vmem>>) target_semaphore(%arg8 : memref<!tpu.dma_semaphore, #tpu.memory_space<semaphore_mem>>)
      %slice3A_164 = vector.extract_strided_slice %get3A_26 {offsets = [10], sizes = [1], strides = [1]} : vector<16xi32> to vector<1xi32>
      %squeeze3A_165 = vector.extract %slice3A_164[0] : i32 from vector<1xi32>
      %mul3A_166 = arith.constant 16 : i32
      %mul3A_167 = arith.muli %scan3A_22, %mul3A_166 : i32
      %add3A_168 = arith.constant 10 : i32
      %add3A_169 = arith.addi %mul3A_167, %add3A_168 : i32
      %dma_start3A_170 = arith.constant 0 : i32
      %dma_start3A_171 = tpu.memref_slice %arg6[%add3A_169, %dma_start3A_170] : memref<512x64xf32, #tpu.memory_space<vmem>> -> memref<1x64xf32, #tpu.memory_space<vmem>>
      %dma_start3A_172 = arith.constant 0 : i32
      %dma_start3A_173 = tpu.memref_slice %arg2[%squeeze3A_165, %dma_start3A_172] : memref<1000000x64xf32, #tpu.memory_space<hbm>> -> memref<1x64xf32, #tpu.memory_space<hbm>>
      %dma_start3A_174 = arith.constant 0 : i32
      %dma_start3A_175 = tpu.memref_slice %arg6[%add3A_169, %dma_start3A_174] : memref<512x64xf32, #tpu.memory_space<vmem>> -> memref<1x64xf32, #tpu.memory_space<vmem>>
      %dma_start3A_176 = arith.constant 0 : i32
      %dma_start3A_177 = tpu.memref_slice %arg2[%squeeze3A_165, %dma_start3A_176] : memref<1000000x64xf32, #tpu.memory_space<hbm>> -> memref<1x64xf32, #tpu.memory_space<hbm>>
      tpu.enqueue_dma source(%dma_start3A_177 : memref<1x64xf32, #tpu.memory_space<hbm>>) target(%dma_start3A_175 : memref<1x64xf32, #tpu.memory_space<vmem>>) target_semaphore(%arg8 : memref<!tpu.dma_semaphore, #tpu.memory_space<semaphore_mem>>)
      %slice3A_178 = vector.extract_strided_slice %get3A_26 {offsets = [11], sizes = [1], strides = [1]} : vector<16xi32> to vector<1xi32>
      %squeeze3A_179 = vector.extract %slice3A_178[0] : i32 from vector<1xi32>
      %mul3A_180 = arith.constant 16 : i32
      %mul3A_181 = arith.muli %scan3A_22, %mul3A_180 : i32
      %add3A_182 = arith.constant 11 : i32
      %add3A_183 = arith.addi %mul3A_181, %add3A_182 : i32
      %dma_start3A_184 = arith.constant 0 : i32
      %dma_start3A_185 = tpu.memref_slice %arg6[%add3A_183, %dma_start3A_184] : memref<512x64xf32, #tpu.memory_space<vmem>> -> memref<1x64xf32, #tpu.memory_space<vmem>>
      %dma_start3A_186 = arith.constant 0 : i32
      %dma_start3A_187 = tpu.memref_slice %arg2[%squeeze3A_179, %dma_start3A_186] : memref<1000000x64xf32, #tpu.memory_space<hbm>> -> memref<1x64xf32, #tpu.memory_space<hbm>>
      %dma_start3A_188 = arith.constant 0 : i32
      %dma_start3A_189 = tpu.memref_slice %arg6[%add3A_183, %dma_start3A_188] : memref<512x64xf32, #tpu.memory_space<vmem>> -> memref<1x64xf32, #tpu.memory_space<vmem>>
      %dma_start3A_190 = arith.constant 0 : i32
      %dma_start3A_191 = tpu.memref_slice %arg2[%squeeze3A_179, %dma_start3A_190] : memref<1000000x64xf32, #tpu.memory_space<hbm>> -> memref<1x64xf32, #tpu.memory_space<hbm>>
      tpu.enqueue_dma source(%dma_start3A_191 : memref<1x64xf32, #tpu.memory_space<hbm>>) target(%dma_start3A_189 : memref<1x64xf32, #tpu.memory_space<vmem>>) target_semaphore(%arg8 : memref<!tpu.dma_semaphore, #tpu.memory_space<semaphore_mem>>)
      %slice3A_192 = vector.extract_strided_slice %get3A_26 {offsets = [12], sizes = [1], strides = [1]} : vector<16xi32> to vector<1xi32>
      %squeeze3A_193 = vector.extract %slice3A_192[0] : i32 from vector<1xi32>
      %mul3A_194 = arith.constant 16 : i32
      %mul3A_195 = arith.muli %scan3A_22, %mul3A_194 : i32
      %add3A_196 = arith.constant 12 : i32
      %add3A_197 = arith.addi %mul3A_195, %add3A_196 : i32
      %dma_start3A_198 = arith.constant 0 : i32
      %dma_start3A_199 = tpu.memref_slice %arg6[%add3A_197, %dma_start3A_198] : memref<512x64xf32, #tpu.memory_space<vmem>> -> memref<1x64xf32, #tpu.memory_space<vmem>>
      %dma_start3A_200 = arith.constant 0 : i32
      %dma_start3A_201 = tpu.memref_slice %arg2[%squeeze3A_193, %dma_start3A_200] : memref<1000000x64xf32, #tpu.memory_space<hbm>> -> memref<1x64xf32, #tpu.memory_space<hbm>>
      %dma_start3A_202 = arith.constant 0 : i32
      %dma_start3A_203 = tpu.memref_slice %arg6[%add3A_197, %dma_start3A_202] : memref<512x64xf32, #tpu.memory_space<vmem>> -> memref<1x64xf32, #tpu.memory_space<vmem>>
      %dma_start3A_204 = arith.constant 0 : i32
      %dma_start3A_205 = tpu.memref_slice %arg2[%squeeze3A_193, %dma_start3A_204] : memref<1000000x64xf32, #tpu.memory_space<hbm>> -> memref<1x64xf32, #tpu.memory_space<hbm>>
      tpu.enqueue_dma source(%dma_start3A_205 : memref<1x64xf32, #tpu.memory_space<hbm>>) target(%dma_start3A_203 : memref<1x64xf32, #tpu.memory_space<vmem>>) target_semaphore(%arg8 : memref<!tpu.dma_semaphore, #tpu.memory_space<semaphore_mem>>)
      %slice3A_206 = vector.extract_strided_slice %get3A_26 {offsets = [13], sizes = [1], strides = [1]} : vector<16xi32> to vector<1xi32>
      %squeeze3A_207 = vector.extract %slice3A_206[0] : i32 from vector<1xi32>
      %mul3A_208 = arith.constant 16 : i32
      %mul3A_209 = arith.muli %scan3A_22, %mul3A_208 : i32
      %add3A_210 = arith.constant 13 : i32
      %add3A_211 = arith.addi %mul3A_209, %add3A_210 : i32
      %dma_start3A_212 = arith.constant 0 : i32
      %dma_start3A_213 = tpu.memref_slice %arg6[%add3A_211, %dma_start3A_212] : memref<512x64xf32, #tpu.memory_space<vmem>> -> memref<1x64xf32, #tpu.memory_space<vmem>>
      %dma_start3A_214 = arith.constant 0 : i32
      %dma_start3A_215 = tpu.memref_slice %arg2[%squeeze3A_207, %dma_start3A_214] : memref<1000000x64xf32, #tpu.memory_space<hbm>> -> memref<1x64xf32, #tpu.memory_space<hbm>>
      %dma_start3A_216 = arith.constant 0 : i32
      %dma_start3A_217 = tpu.memref_slice %arg6[%add3A_211, %dma_start3A_216] : memref<512x64xf32, #tpu.memory_space<vmem>> -> memref<1x64xf32, #tpu.memory_space<vmem>>
      %dma_start3A_218 = arith.constant 0 : i32
      %dma_start3A_219 = tpu.memref_slice %arg2[%squeeze3A_207, %dma_start3A_218] : memref<1000000x64xf32, #tpu.memory_space<hbm>> -> memref<1x64xf32, #tpu.memory_space<hbm>>
      tpu.enqueue_dma source(%dma_start3A_219 : memref<1x64xf32, #tpu.memory_space<hbm>>) target(%dma_start3A_217 : memref<1x64xf32, #tpu.memory_space<vmem>>) target_semaphore(%arg8 : memref<!tpu.dma_semaphore, #tpu.memory_space<semaphore_mem>>)
      %slice3A_220 = vector.extract_strided_slice %get3A_26 {offsets = [14], sizes = [1], strides = [1]} : vector<16xi32> to vector<1xi32>
      %squeeze3A_221 = vector.extract %slice3A_220[0] : i32 from vector<1xi32>
      %mul3A_222 = arith.constant 16 : i32
      %mul3A_223 = arith.muli %scan3A_22, %mul3A_222 : i32
      %add3A_224 = arith.constant 14 : i32
      %add3A_225 = arith.addi %mul3A_223, %add3A_224 : i32
      %dma_start3A_226 = arith.constant 0 : i32
      %dma_start3A_227 = tpu.memref_slice %arg6[%add3A_225, %dma_start3A_226] : memref<512x64xf32, #tpu.memory_space<vmem>> -> memref<1x64xf32, #tpu.memory_space<vmem>>
      %dma_start3A_228 = arith.constant 0 : i32
      %dma_start3A_229 = tpu.memref_slice %arg2[%squeeze3A_221, %dma_start3A_228] : memref<1000000x64xf32, #tpu.memory_space<hbm>> -> memref<1x64xf32, #tpu.memory_space<hbm>>
      %dma_start3A_230 = arith.constant 0 : i32
      %dma_start3A_231 = tpu.memref_slice %arg6[%add3A_225, %dma_start3A_230] : memref<512x64xf32, #tpu.memory_space<vmem>> -> memref<1x64xf32, #tpu.memory_space<vmem>>
      %dma_start3A_232 = arith.constant 0 : i32
      %dma_start3A_233 = tpu.memref_slice %arg2[%squeeze3A_221, %dma_start3A_232] : memref<1000000x64xf32, #tpu.memory_space<hbm>> -> memref<1x64xf32, #tpu.memory_space<hbm>>
      tpu.enqueue_dma source(%dma_start3A_233 : memref<1x64xf32, #tpu.memory_space<hbm>>) target(%dma_start3A_231 : memref<1x64xf32, #tpu.memory_space<vmem>>) target_semaphore(%arg8 : memref<!tpu.dma_semaphore, #tpu.memory_space<semaphore_mem>>)
      %slice3A_234 = vector.extract_strided_slice %get3A_26 {offsets = [15], sizes = [1], strides = [1]} : vector<16xi32> to vector<1xi32>
      %squeeze3A_235 = vector.extract %slice3A_234[0] : i32 from vector<1xi32>
      %mul3A_236 = arith.constant 16 : i32
      %mul3A_237 = arith.muli %scan3A_22, %mul3A_236 : i32
      %add3A_238 = arith.constant 15 : i32
      %add3A_239 = arith.addi %mul3A_237, %add3A_238 : i32
      %dma_start3A_240 = arith.constant 0 : i32
      %dma_start3A_241 = tpu.memref_slice %arg6[%add3A_239, %dma_start3A_240] : memref<512x64xf32, #tpu.memory_space<vmem>> -> memref<1x64xf32, #tpu.memory_space<vmem>>
      %dma_start3A_242 = arith.constant 0 : i32
      %dma_start3A_243 = tpu.memref_slice %arg2[%squeeze3A_235, %dma_start3A_242] : memref<1000000x64xf32, #tpu.memory_space<hbm>> -> memref<1x64xf32, #tpu.memory_space<hbm>>
      %dma_start3A_244 = arith.constant 0 : i32
      %dma_start3A_245 = tpu.memref_slice %arg6[%add3A_239, %dma_start3A_244] : memref<512x64xf32, #tpu.memory_space<vmem>> -> memref<1x64xf32, #tpu.memory_space<vmem>>
      %dma_start3A_246 = arith.constant 0 : i32
      %dma_start3A_247 = tpu.memref_slice %arg2[%squeeze3A_235, %dma_start3A_246] : memref<1000000x64xf32, #tpu.memory_space<hbm>> -> memref<1x64xf32, #tpu.memory_space<hbm>>
      tpu.enqueue_dma source(%dma_start3A_247 : memref<1x64xf32, #tpu.memory_space<hbm>>) target(%dma_start3A_245 : memref<1x64xf32, #tpu.memory_space<vmem>>) target_semaphore(%arg8 : memref<!tpu.dma_semaphore, #tpu.memory_space<semaphore_mem>>)
    }
    %scan3A_7 = arith.constant 32 : i32
    %scan3A_8 = arith.constant 0 : i32
    %scan3A_9 = arith.constant 0 : i32
    %scan3A_10 = arith.constant 32 : i32
    %scan3A_11 = arith.addi %scan3A_9, %scan3A_10 : i32
    %scan3A_12 = arith.constant 1 : i32
    scf.for %scan3A_22 = %scan3A_9 to %scan3A_11 step %scan3A_12  : i32 {
      %mul3A_23 = arith.constant 16 : i32
      %mul3A_24 = arith.muli %scan3A_22, %mul3A_23 : i32
      %add3A_25 = arith.constant 0 : i32
      %add3A_26 = arith.addi %mul3A_24, %add3A_25 : i32
      %dma_wait3A = arith.constant 0 : i32
      %dma_wait3A_27 = tpu.memref_slice %arg6[%add3A_26, %dma_wait3A] : memref<512x64xf32, #tpu.memory_space<vmem>> -> memref<1x64xf32, #tpu.memory_space<vmem>>
      %dma_wait3A_28 = arith.constant 0 : i32
      %dma_wait3A_29 = arith.constant 0 : i32
      %dma_wait3A_30 = tpu.memref_slice %arg2[%dma_wait3A_28, %dma_wait3A_29] : memref<1000000x64xf32, #tpu.memory_space<hbm>> -> memref<1x64xf32, #tpu.memory_space<hbm>>
      %dma_wait3A_31 = arith.constant 0 : i32
      %dma_wait3A_32 = tpu.memref_slice %arg6[%add3A_26, %dma_wait3A_31] : memref<512x64xf32, #tpu.memory_space<vmem>> -> memref<1x64xf32, #tpu.memory_space<vmem>>
      %dma_wait3A_33 = arith.constant 0 : i32
      %dma_wait3A_34 = arith.constant 0 : i32
      %dma_wait3A_35 = tpu.memref_slice %arg2[%dma_wait3A_33, %dma_wait3A_34] : memref<1000000x64xf32, #tpu.memory_space<hbm>> -> memref<1x64xf32, #tpu.memory_space<hbm>>
      tpu.wait_dma2 semaphore(%arg8 : memref<!tpu.dma_semaphore, #tpu.memory_space<semaphore_mem>>) src(%dma_wait3A_35 : memref<1x64xf32, #tpu.memory_space<hbm>>) dst(%dma_wait3A_32 : memref<1x64xf32, #tpu.memory_space<vmem>>)
      %mul3A_36 = arith.constant 16 : i32
      %mul3A_37 = arith.muli %scan3A_22, %mul3A_36 : i32
      %add3A_38 = arith.constant 1 : i32
      %add3A_39 = arith.addi %mul3A_37, %add3A_38 : i32
      %dma_wait3A_40 = arith.constant 0 : i32
      %dma_wait3A_41 = tpu.memref_slice %arg6[%add3A_39, %dma_wait3A_40] : memref<512x64xf32, #tpu.memory_space<vmem>> -> memref<1x64xf32, #tpu.memory_space<vmem>>
      %dma_wait3A_42 = arith.constant 0 : i32
      %dma_wait3A_43 = arith.constant 0 : i32
      %dma_wait3A_44 = tpu.memref_slice %arg2[%dma_wait3A_42, %dma_wait3A_43] : memref<1000000x64xf32, #tpu.memory_space<hbm>> -> memref<1x64xf32, #tpu.memory_space<hbm>>
      %dma_wait3A_45 = arith.constant 0 : i32
      %dma_wait3A_46 = tpu.memref_slice %arg6[%add3A_39, %dma_wait3A_45] : memref<512x64xf32, #tpu.memory_space<vmem>> -> memref<1x64xf32, #tpu.memory_space<vmem>>
      %dma_wait3A_47 = arith.constant 0 : i32
      %dma_wait3A_48 = arith.constant 0 : i32
      %dma_wait3A_49 = tpu.memref_slice %arg2[%dma_wait3A_47, %dma_wait3A_48] : memref<1000000x64xf32, #tpu.memory_space<hbm>> -> memref<1x64xf32, #tpu.memory_space<hbm>>
      tpu.wait_dma2 semaphore(%arg8 : memref<!tpu.dma_semaphore, #tpu.memory_space<semaphore_mem>>) src(%dma_wait3A_49 : memref<1x64xf32, #tpu.memory_space<hbm>>) dst(%dma_wait3A_46 : memref<1x64xf32, #tpu.memory_space<vmem>>)
      %mul3A_50 = arith.constant 16 : i32
      %mul3A_51 = arith.muli %scan3A_22, %mul3A_50 : i32
      %add3A_52 = arith.constant 2 : i32
      %add3A_53 = arith.addi %mul3A_51, %add3A_52 : i32
      %dma_wait3A_54 = arith.constant 0 : i32
      %dma_wait3A_55 = tpu.memref_slice %arg6[%add3A_53, %dma_wait3A_54] : memref<512x64xf32, #tpu.memory_space<vmem>> -> memref<1x64xf32, #tpu.memory_space<vmem>>
      %dma_wait3A_56 = arith.constant 0 : i32
      %dma_wait3A_57 = arith.constant 0 : i32
      %dma_wait3A_58 = tpu.memref_slice %arg2[%dma_wait3A_56, %dma_wait3A_57] : memref<1000000x64xf32, #tpu.memory_space<hbm>> -> memref<1x64xf32, #tpu.memory_space<hbm>>
      %dma_wait3A_59 = arith.constant 0 : i32
      %dma_wait3A_60 = tpu.memref_slice %arg6[%add3A_53, %dma_wait3A_59] : memref<512x64xf32, #tpu.memory_space<vmem>> -> memref<1x64xf32, #tpu.memory_space<vmem>>
      %dma_wait3A_61 = arith.constant 0 : i32
      %dma_wait3A_62 = arith.constant 0 : i32
      %dma_wait3A_63 = tpu.memref_slice %arg2[%dma_wait3A_61, %dma_wait3A_62] : memref<1000000x64xf32, #tpu.memory_space<hbm>> -> memref<1x64xf32, #tpu.memory_space<hbm>>
      tpu.wait_dma2 semaphore(%arg8 : memref<!tpu.dma_semaphore, #tpu.memory_space<semaphore_mem>>) src(%dma_wait3A_63 : memref<1x64xf32, #tpu.memory_space<hbm>>) dst(%dma_wait3A_60 : memref<1x64xf32, #tpu.memory_space<vmem>>)
      %mul3A_64 = arith.constant 16 : i32
      %mul3A_65 = arith.muli %scan3A_22, %mul3A_64 : i32
      %add3A_66 = arith.constant 3 : i32
      %add3A_67 = arith.addi %mul3A_65, %add3A_66 : i32
      %dma_wait3A_68 = arith.constant 0 : i32
      %dma_wait3A_69 = tpu.memref_slice %arg6[%add3A_67, %dma_wait3A_68] : memref<512x64xf32, #tpu.memory_space<vmem>> -> memref<1x64xf32, #tpu.memory_space<vmem>>
      %dma_wait3A_70 = arith.constant 0 : i32
      %dma_wait3A_71 = arith.constant 0 : i32
      %dma_wait3A_72 = tpu.memref_slice %arg2[%dma_wait3A_70, %dma_wait3A_71] : memref<1000000x64xf32, #tpu.memory_space<hbm>> -> memref<1x64xf32, #tpu.memory_space<hbm>>
      %dma_wait3A_73 = arith.constant 0 : i32
      %dma_wait3A_74 = tpu.memref_slice %arg6[%add3A_67, %dma_wait3A_73] : memref<512x64xf32, #tpu.memory_space<vmem>> -> memref<1x64xf32, #tpu.memory_space<vmem>>
      %dma_wait3A_75 = arith.constant 0 : i32
      %dma_wait3A_76 = arith.constant 0 : i32
      %dma_wait3A_77 = tpu.memref_slice %arg2[%dma_wait3A_75, %dma_wait3A_76] : memref<1000000x64xf32, #tpu.memory_space<hbm>> -> memref<1x64xf32, #tpu.memory_space<hbm>>
      tpu.wait_dma2 semaphore(%arg8 : memref<!tpu.dma_semaphore, #tpu.memory_space<semaphore_mem>>) src(%dma_wait3A_77 : memref<1x64xf32, #tpu.memory_space<hbm>>) dst(%dma_wait3A_74 : memref<1x64xf32, #tpu.memory_space<vmem>>)
      %mul3A_78 = arith.constant 16 : i32
      %mul3A_79 = arith.muli %scan3A_22, %mul3A_78 : i32
      %add3A_80 = arith.constant 4 : i32
      %add3A_81 = arith.addi %mul3A_79, %add3A_80 : i32
      %dma_wait3A_82 = arith.constant 0 : i32
      %dma_wait3A_83 = tpu.memref_slice %arg6[%add3A_81, %dma_wait3A_82] : memref<512x64xf32, #tpu.memory_space<vmem>> -> memref<1x64xf32, #tpu.memory_space<vmem>>
      %dma_wait3A_84 = arith.constant 0 : i32
      %dma_wait3A_85 = arith.constant 0 : i32
      %dma_wait3A_86 = tpu.memref_slice %arg2[%dma_wait3A_84, %dma_wait3A_85] : memref<1000000x64xf32, #tpu.memory_space<hbm>> -> memref<1x64xf32, #tpu.memory_space<hbm>>
      %dma_wait3A_87 = arith.constant 0 : i32
      %dma_wait3A_88 = tpu.memref_slice %arg6[%add3A_81, %dma_wait3A_87] : memref<512x64xf32, #tpu.memory_space<vmem>> -> memref<1x64xf32, #tpu.memory_space<vmem>>
      %dma_wait3A_89 = arith.constant 0 : i32
      %dma_wait3A_90 = arith.constant 0 : i32
      %dma_wait3A_91 = tpu.memref_slice %arg2[%dma_wait3A_89, %dma_wait3A_90] : memref<1000000x64xf32, #tpu.memory_space<hbm>> -> memref<1x64xf32, #tpu.memory_space<hbm>>
      tpu.wait_dma2 semaphore(%arg8 : memref<!tpu.dma_semaphore, #tpu.memory_space<semaphore_mem>>) src(%dma_wait3A_91 : memref<1x64xf32, #tpu.memory_space<hbm>>) dst(%dma_wait3A_88 : memref<1x64xf32, #tpu.memory_space<vmem>>)
      %mul3A_92 = arith.constant 16 : i32
      %mul3A_93 = arith.muli %scan3A_22, %mul3A_92 : i32
      %add3A_94 = arith.constant 5 : i32
      %add3A_95 = arith.addi %mul3A_93, %add3A_94 : i32
      %dma_wait3A_96 = arith.constant 0 : i32
      %dma_wait3A_97 = tpu.memref_slice %arg6[%add3A_95, %dma_wait3A_96] : memref<512x64xf32, #tpu.memory_space<vmem>> -> memref<1x64xf32, #tpu.memory_space<vmem>>
      %dma_wait3A_98 = arith.constant 0 : i32
      %dma_wait3A_99 = arith.constant 0 : i32
      %dma_wait3A_100 = tpu.memref_slice %arg2[%dma_wait3A_98, %dma_wait3A_99] : memref<1000000x64xf32, #tpu.memory_space<hbm>> -> memref<1x64xf32, #tpu.memory_space<hbm>>
      %dma_wait3A_101 = arith.constant 0 : i32
      %dma_wait3A_102 = tpu.memref_slice %arg6[%add3A_95, %dma_wait3A_101] : memref<512x64xf32, #tpu.memory_space<vmem>> -> memref<1x64xf32, #tpu.memory_space<vmem>>
      %dma_wait3A_103 = arith.constant 0 : i32
      %dma_wait3A_104 = arith.constant 0 : i32
      %dma_wait3A_105 = tpu.memref_slice %arg2[%dma_wait3A_103, %dma_wait3A_104] : memref<1000000x64xf32, #tpu.memory_space<hbm>> -> memref<1x64xf32, #tpu.memory_space<hbm>>
      tpu.wait_dma2 semaphore(%arg8 : memref<!tpu.dma_semaphore, #tpu.memory_space<semaphore_mem>>) src(%dma_wait3A_105 : memref<1x64xf32, #tpu.memory_space<hbm>>) dst(%dma_wait3A_102 : memref<1x64xf32, #tpu.memory_space<vmem>>)
      %mul3A_106 = arith.constant 16 : i32
      %mul3A_107 = arith.muli %scan3A_22, %mul3A_106 : i32
      %add3A_108 = arith.constant 6 : i32
      %add3A_109 = arith.addi %mul3A_107, %add3A_108 : i32
      %dma_wait3A_110 = arith.constant 0 : i32
      %dma_wait3A_111 = tpu.memref_slice %arg6[%add3A_109, %dma_wait3A_110] : memref<512x64xf32, #tpu.memory_space<vmem>> -> memref<1x64xf32, #tpu.memory_space<vmem>>
      %dma_wait3A_112 = arith.constant 0 : i32
      %dma_wait3A_113 = arith.constant 0 : i32
      %dma_wait3A_114 = tpu.memref_slice %arg2[%dma_wait3A_112, %dma_wait3A_113] : memref<1000000x64xf32, #tpu.memory_space<hbm>> -> memref<1x64xf32, #tpu.memory_space<hbm>>
      %dma_wait3A_115 = arith.constant 0 : i32
      %dma_wait3A_116 = tpu.memref_slice %arg6[%add3A_109, %dma_wait3A_115] : memref<512x64xf32, #tpu.memory_space<vmem>> -> memref<1x64xf32, #tpu.memory_space<vmem>>
      %dma_wait3A_117 = arith.constant 0 : i32
      %dma_wait3A_118 = arith.constant 0 : i32
      %dma_wait3A_119 = tpu.memref_slice %arg2[%dma_wait3A_117, %dma_wait3A_118] : memref<1000000x64xf32, #tpu.memory_space<hbm>> -> memref<1x64xf32, #tpu.memory_space<hbm>>
      tpu.wait_dma2 semaphore(%arg8 : memref<!tpu.dma_semaphore, #tpu.memory_space<semaphore_mem>>) src(%dma_wait3A_119 : memref<1x64xf32, #tpu.memory_space<hbm>>) dst(%dma_wait3A_116 : memref<1x64xf32, #tpu.memory_space<vmem>>)
      %mul3A_120 = arith.constant 16 : i32
      %mul3A_121 = arith.muli %scan3A_22, %mul3A_120 : i32
      %add3A_122 = arith.constant 7 : i32
      %add3A_123 = arith.addi %mul3A_121, %add3A_122 : i32
      %dma_wait3A_124 = arith.constant 0 : i32
      %dma_wait3A_125 = tpu.memref_slice %arg6[%add3A_123, %dma_wait3A_124] : memref<512x64xf32, #tpu.memory_space<vmem>> -> memref<1x64xf32, #tpu.memory_space<vmem>>
      %dma_wait3A_126 = arith.constant 0 : i32
      %dma_wait3A_127 = arith.constant 0 : i32
      %dma_wait3A_128 = tpu.memref_slice %arg2[%dma_wait3A_126, %dma_wait3A_127] : memref<1000000x64xf32, #tpu.memory_space<hbm>> -> memref<1x64xf32, #tpu.memory_space<hbm>>
      %dma_wait3A_129 = arith.constant 0 : i32
      %dma_wait3A_130 = tpu.memref_slice %arg6[%add3A_123, %dma_wait3A_129] : memref<512x64xf32, #tpu.memory_space<vmem>> -> memref<1x64xf32, #tpu.memory_space<vmem>>
      %dma_wait3A_131 = arith.constant 0 : i32
      %dma_wait3A_132 = arith.constant 0 : i32
      %dma_wait3A_133 = tpu.memref_slice %arg2[%dma_wait3A_131, %dma_wait3A_132] : memref<1000000x64xf32, #tpu.memory_space<hbm>> -> memref<1x64xf32, #tpu.memory_space<hbm>>
      tpu.wait_dma2 semaphore(%arg8 : memref<!tpu.dma_semaphore, #tpu.memory_space<semaphore_mem>>) src(%dma_wait3A_133 : memref<1x64xf32, #tpu.memory_space<hbm>>) dst(%dma_wait3A_130 : memref<1x64xf32, #tpu.memory_space<vmem>>)
      %mul3A_134 = arith.constant 16 : i32
      %mul3A_135 = arith.muli %scan3A_22, %mul3A_134 : i32
      %add3A_136 = arith.constant 8 : i32
      %add3A_137 = arith.addi %mul3A_135, %add3A_136 : i32
      %dma_wait3A_138 = arith.constant 0 : i32
      %dma_wait3A_139 = tpu.memref_slice %arg6[%add3A_137, %dma_wait3A_138] : memref<512x64xf32, #tpu.memory_space<vmem>> -> memref<1x64xf32, #tpu.memory_space<vmem>>
      %dma_wait3A_140 = arith.constant 0 : i32
      %dma_wait3A_141 = arith.constant 0 : i32
      %dma_wait3A_142 = tpu.memref_slice %arg2[%dma_wait3A_140, %dma_wait3A_141] : memref<1000000x64xf32, #tpu.memory_space<hbm>> -> memref<1x64xf32, #tpu.memory_space<hbm>>
      %dma_wait3A_143 = arith.constant 0 : i32
      %dma_wait3A_144 = tpu.memref_slice %arg6[%add3A_137, %dma_wait3A_143] : memref<512x64xf32, #tpu.memory_space<vmem>> -> memref<1x64xf32, #tpu.memory_space<vmem>>
      %dma_wait3A_145 = arith.constant 0 : i32
      %dma_wait3A_146 = arith.constant 0 : i32
      %dma_wait3A_147 = tpu.memref_slice %arg2[%dma_wait3A_145, %dma_wait3A_146] : memref<1000000x64xf32, #tpu.memory_space<hbm>> -> memref<1x64xf32, #tpu.memory_space<hbm>>
      tpu.wait_dma2 semaphore(%arg8 : memref<!tpu.dma_semaphore, #tpu.memory_space<semaphore_mem>>) src(%dma_wait3A_147 : memref<1x64xf32, #tpu.memory_space<hbm>>) dst(%dma_wait3A_144 : memref<1x64xf32, #tpu.memory_space<vmem>>)
      %mul3A_148 = arith.constant 16 : i32
      %mul3A_149 = arith.muli %scan3A_22, %mul3A_148 : i32
      %add3A_150 = arith.constant 9 : i32
      %add3A_151 = arith.addi %mul3A_149, %add3A_150 : i32
      %dma_wait3A_152 = arith.constant 0 : i32
      %dma_wait3A_153 = tpu.memref_slice %arg6[%add3A_151, %dma_wait3A_152] : memref<512x64xf32, #tpu.memory_space<vmem>> -> memref<1x64xf32, #tpu.memory_space<vmem>>
      %dma_wait3A_154 = arith.constant 0 : i32
      %dma_wait3A_155 = arith.constant 0 : i32
      %dma_wait3A_156 = tpu.memref_slice %arg2[%dma_wait3A_154, %dma_wait3A_155] : memref<1000000x64xf32, #tpu.memory_space<hbm>> -> memref<1x64xf32, #tpu.memory_space<hbm>>
      %dma_wait3A_157 = arith.constant 0 : i32
      %dma_wait3A_158 = tpu.memref_slice %arg6[%add3A_151, %dma_wait3A_157] : memref<512x64xf32, #tpu.memory_space<vmem>> -> memref<1x64xf32, #tpu.memory_space<vmem>>
      %dma_wait3A_159 = arith.constant 0 : i32
      %dma_wait3A_160 = arith.constant 0 : i32
      %dma_wait3A_161 = tpu.memref_slice %arg2[%dma_wait3A_159, %dma_wait3A_160] : memref<1000000x64xf32, #tpu.memory_space<hbm>> -> memref<1x64xf32, #tpu.memory_space<hbm>>
      tpu.wait_dma2 semaphore(%arg8 : memref<!tpu.dma_semaphore, #tpu.memory_space<semaphore_mem>>) src(%dma_wait3A_161 : memref<1x64xf32, #tpu.memory_space<hbm>>) dst(%dma_wait3A_158 : memref<1x64xf32, #tpu.memory_space<vmem>>)
      %mul3A_162 = arith.constant 16 : i32
      %mul3A_163 = arith.muli %scan3A_22, %mul3A_162 : i32
      %add3A_164 = arith.constant 10 : i32
      %add3A_165 = arith.addi %mul3A_163, %add3A_164 : i32
      %dma_wait3A_166 = arith.constant 0 : i32
      %dma_wait3A_167 = tpu.memref_slice %arg6[%add3A_165, %dma_wait3A_166] : memref<512x64xf32, #tpu.memory_space<vmem>> -> memref<1x64xf32, #tpu.memory_space<vmem>>
      %dma_wait3A_168 = arith.constant 0 : i32
      %dma_wait3A_169 = arith.constant 0 : i32
      %dma_wait3A_170 = tpu.memref_slice %arg2[%dma_wait3A_168, %dma_wait3A_169] : memref<1000000x64xf32, #tpu.memory_space<hbm>> -> memref<1x64xf32, #tpu.memory_space<hbm>>
      %dma_wait3A_171 = arith.constant 0 : i32
      %dma_wait3A_172 = tpu.memref_slice %arg6[%add3A_165, %dma_wait3A_171] : memref<512x64xf32, #tpu.memory_space<vmem>> -> memref<1x64xf32, #tpu.memory_space<vmem>>
      %dma_wait3A_173 = arith.constant 0 : i32
      %dma_wait3A_174 = arith.constant 0 : i32
      %dma_wait3A_175 = tpu.memref_slice %arg2[%dma_wait3A_173, %dma_wait3A_174] : memref<1000000x64xf32, #tpu.memory_space<hbm>> -> memref<1x64xf32, #tpu.memory_space<hbm>>
      tpu.wait_dma2 semaphore(%arg8 : memref<!tpu.dma_semaphore, #tpu.memory_space<semaphore_mem>>) src(%dma_wait3A_175 : memref<1x64xf32, #tpu.memory_space<hbm>>) dst(%dma_wait3A_172 : memref<1x64xf32, #tpu.memory_space<vmem>>)
      %mul3A_176 = arith.constant 16 : i32
      %mul3A_177 = arith.muli %scan3A_22, %mul3A_176 : i32
      %add3A_178 = arith.constant 11 : i32
      %add3A_179 = arith.addi %mul3A_177, %add3A_178 : i32
      %dma_wait3A_180 = arith.constant 0 : i32
      %dma_wait3A_181 = tpu.memref_slice %arg6[%add3A_179, %dma_wait3A_180] : memref<512x64xf32, #tpu.memory_space<vmem>> -> memref<1x64xf32, #tpu.memory_space<vmem>>
      %dma_wait3A_182 = arith.constant 0 : i32
      %dma_wait3A_183 = arith.constant 0 : i32
      %dma_wait3A_184 = tpu.memref_slice %arg2[%dma_wait3A_182, %dma_wait3A_183] : memref<1000000x64xf32, #tpu.memory_space<hbm>> -> memref<1x64xf32, #tpu.memory_space<hbm>>
      %dma_wait3A_185 = arith.constant 0 : i32
      %dma_wait3A_186 = tpu.memref_slice %arg6[%add3A_179, %dma_wait3A_185] : memref<512x64xf32, #tpu.memory_space<vmem>> -> memref<1x64xf32, #tpu.memory_space<vmem>>
      %dma_wait3A_187 = arith.constant 0 : i32
      %dma_wait3A_188 = arith.constant 0 : i32
      %dma_wait3A_189 = tpu.memref_slice %arg2[%dma_wait3A_187, %dma_wait3A_188] : memref<1000000x64xf32, #tpu.memory_space<hbm>> -> memref<1x64xf32, #tpu.memory_space<hbm>>
      tpu.wait_dma2 semaphore(%arg8 : memref<!tpu.dma_semaphore, #tpu.memory_space<semaphore_mem>>) src(%dma_wait3A_189 : memref<1x64xf32, #tpu.memory_space<hbm>>) dst(%dma_wait3A_186 : memref<1x64xf32, #tpu.memory_space<vmem>>)
      %mul3A_190 = arith.constant 16 : i32
      %mul3A_191 = arith.muli %scan3A_22, %mul3A_190 : i32
      %add3A_192 = arith.constant 12 : i32
      %add3A_193 = arith.addi %mul3A_191, %add3A_192 : i32
      %dma_wait3A_194 = arith.constant 0 : i32
      %dma_wait3A_195 = tpu.memref_slice %arg6[%add3A_193, %dma_wait3A_194] : memref<512x64xf32, #tpu.memory_space<vmem>> -> memref<1x64xf32, #tpu.memory_space<vmem>>
      %dma_wait3A_196 = arith.constant 0 : i32
      %dma_wait3A_197 = arith.constant 0 : i32
      %dma_wait3A_198 = tpu.memref_slice %arg2[%dma_wait3A_196, %dma_wait3A_197] : memref<1000000x64xf32, #tpu.memory_space<hbm>> -> memref<1x64xf32, #tpu.memory_space<hbm>>
      %dma_wait3A_199 = arith.constant 0 : i32
      %dma_wait3A_200 = tpu.memref_slice %arg6[%add3A_193, %dma_wait3A_199] : memref<512x64xf32, #tpu.memory_space<vmem>> -> memref<1x64xf32, #tpu.memory_space<vmem>>
      %dma_wait3A_201 = arith.constant 0 : i32
      %dma_wait3A_202 = arith.constant 0 : i32
      %dma_wait3A_203 = tpu.memref_slice %arg2[%dma_wait3A_201, %dma_wait3A_202] : memref<1000000x64xf32, #tpu.memory_space<hbm>> -> memref<1x64xf32, #tpu.memory_space<hbm>>
      tpu.wait_dma2 semaphore(%arg8 : memref<!tpu.dma_semaphore, #tpu.memory_space<semaphore_mem>>) src(%dma_wait3A_203 : memref<1x64xf32, #tpu.memory_space<hbm>>) dst(%dma_wait3A_200 : memref<1x64xf32, #tpu.memory_space<vmem>>)
      %mul3A_204 = arith.constant 16 : i32
      %mul3A_205 = arith.muli %scan3A_22, %mul3A_204 : i32
      %add3A_206 = arith.constant 13 : i32
      %add3A_207 = arith.addi %mul3A_205, %add3A_206 : i32
      %dma_wait3A_208 = arith.constant 0 : i32
      %dma_wait3A_209 = tpu.memref_slice %arg6[%add3A_207, %dma_wait3A_208] : memref<512x64xf32, #tpu.memory_space<vmem>> -> memref<1x64xf32, #tpu.memory_space<vmem>>
      %dma_wait3A_210 = arith.constant 0 : i32
      %dma_wait3A_211 = arith.constant 0 : i32
      %dma_wait3A_212 = tpu.memref_slice %arg2[%dma_wait3A_210, %dma_wait3A_211] : memref<1000000x64xf32, #tpu.memory_space<hbm>> -> memref<1x64xf32, #tpu.memory_space<hbm>>
      %dma_wait3A_213 = arith.constant 0 : i32
      %dma_wait3A_214 = tpu.memref_slice %arg6[%add3A_207, %dma_wait3A_213] : memref<512x64xf32, #tpu.memory_space<vmem>> -> memref<1x64xf32, #tpu.memory_space<vmem>>
      %dma_wait3A_215 = arith.constant 0 : i32
      %dma_wait3A_216 = arith.constant 0 : i32
      %dma_wait3A_217 = tpu.memref_slice %arg2[%dma_wait3A_215, %dma_wait3A_216] : memref<1000000x64xf32, #tpu.memory_space<hbm>> -> memref<1x64xf32, #tpu.memory_space<hbm>>
      tpu.wait_dma2 semaphore(%arg8 : memref<!tpu.dma_semaphore, #tpu.memory_space<semaphore_mem>>) src(%dma_wait3A_217 : memref<1x64xf32, #tpu.memory_space<hbm>>) dst(%dma_wait3A_214 : memref<1x64xf32, #tpu.memory_space<vmem>>)
      %mul3A_218 = arith.constant 16 : i32
      %mul3A_219 = arith.muli %scan3A_22, %mul3A_218 : i32
      %add3A_220 = arith.constant 14 : i32
      %add3A_221 = arith.addi %mul3A_219, %add3A_220 : i32
      %dma_wait3A_222 = arith.constant 0 : i32
      %dma_wait3A_223 = tpu.memref_slice %arg6[%add3A_221, %dma_wait3A_222] : memref<512x64xf32, #tpu.memory_space<vmem>> -> memref<1x64xf32, #tpu.memory_space<vmem>>
      %dma_wait3A_224 = arith.constant 0 : i32
      %dma_wait3A_225 = arith.constant 0 : i32
      %dma_wait3A_226 = tpu.memref_slice %arg2[%dma_wait3A_224, %dma_wait3A_225] : memref<1000000x64xf32, #tpu.memory_space<hbm>> -> memref<1x64xf32, #tpu.memory_space<hbm>>
      %dma_wait3A_227 = arith.constant 0 : i32
      %dma_wait3A_228 = tpu.memref_slice %arg6[%add3A_221, %dma_wait3A_227] : memref<512x64xf32, #tpu.memory_space<vmem>> -> memref<1x64xf32, #tpu.memory_space<vmem>>
      %dma_wait3A_229 = arith.constant 0 : i32
      %dma_wait3A_230 = arith.constant 0 : i32
      %dma_wait3A_231 = tpu.memref_slice %arg2[%dma_wait3A_229, %dma_wait3A_230] : memref<1000000x64xf32, #tpu.memory_space<hbm>> -> memref<1x64xf32, #tpu.memory_space<hbm>>
      tpu.wait_dma2 semaphore(%arg8 : memref<!tpu.dma_semaphore, #tpu.memory_space<semaphore_mem>>) src(%dma_wait3A_231 : memref<1x64xf32, #tpu.memory_space<hbm>>) dst(%dma_wait3A_228 : memref<1x64xf32, #tpu.memory_space<vmem>>)
      %mul3A_232 = arith.constant 16 : i32
      %mul3A_233 = arith.muli %scan3A_22, %mul3A_232 : i32
      %add3A_234 = arith.constant 15 : i32
      %add3A_235 = arith.addi %mul3A_233, %add3A_234 : i32
      %dma_wait3A_236 = arith.constant 0 : i32
      %dma_wait3A_237 = tpu.memref_slice %arg6[%add3A_235, %dma_wait3A_236] : memref<512x64xf32, #tpu.memory_space<vmem>> -> memref<1x64xf32, #tpu.memory_space<vmem>>
      %dma_wait3A_238 = arith.constant 0 : i32
      %dma_wait3A_239 = arith.constant 0 : i32
      %dma_wait3A_240 = tpu.memref_slice %arg2[%dma_wait3A_238, %dma_wait3A_239] : memref<1000000x64xf32, #tpu.memory_space<hbm>> -> memref<1x64xf32, #tpu.memory_space<hbm>>
      %dma_wait3A_241 = arith.constant 0 : i32
      %dma_wait3A_242 = tpu.memref_slice %arg6[%add3A_235, %dma_wait3A_241] : memref<512x64xf32, #tpu.memory_space<vmem>> -> memref<1x64xf32, #tpu.memory_space<vmem>>
      %dma_wait3A_243 = arith.constant 0 : i32
      %dma_wait3A_244 = arith.constant 0 : i32
      %dma_wait3A_245 = tpu.memref_slice %arg2[%dma_wait3A_243, %dma_wait3A_244] : memref<1000000x64xf32, #tpu.memory_space<hbm>> -> memref<1x64xf32, #tpu.memory_space<hbm>>
      tpu.wait_dma2 semaphore(%arg8 : memref<!tpu.dma_semaphore, #tpu.memory_space<semaphore_mem>>) src(%dma_wait3A_245 : memref<1x64xf32, #tpu.memory_space<hbm>>) dst(%dma_wait3A_242 : memref<1x64xf32, #tpu.memory_space<vmem>>)
    }
    %scan3A_13 = arith.constant 32 : i32
    %scan3A_14 = arith.constant 0 : i32
    %scan3A_15 = arith.constant 0 : i32
    %scan3A_16 = arith.constant 256 : i32
    %scan3A_17 = arith.addi %scan3A_15, %scan3A_16 : i32
    %scan3A_18 = arith.constant 1 : i32
    scf.for %scan3A_22 = %scan3A_15 to %scan3A_17 step %scan3A_18  : i32 {
      %mul3A_23 = arith.constant 2 : i32
      %mul3A_24 = arith.muli %mul3A_23, %scan3A_22 : i32
      %get3A = arith.index_cast %mul3A_24 : i32 to index
      %get3A_25 = arith.constant 0 : index
      %get3A_26 = tpu.vector_load %arg6[%get3A, %get3A_25] {strides = array<i32>} : memref<512x64xf32, #tpu.memory_space<vmem>>, vector<1x16xf32>,
      %get3A_27 = vector.shape_cast %get3A_26 : vector<1x16xf32> to vector<16xf32>
      %swap3A = arith.index_cast %scan3A_22 : i32 to index
      %swap3A_28 = arith.constant 0 : index
      %swap3A_29 = tpu.vector_load %arg7[%swap3A, %swap3A_28] {strides = array<i32>} : memref<256x128xf32, #tpu.memory_space<vmem>>, vector<1x16xf32>,
      %swap3A_30 = vector.shape_cast %swap3A_29 : vector<1x16xf32> to vector<16xf32>
      %swap3A_31 = vector.shape_cast %get3A_27 : vector<16xf32> to vector<1x16xf32>
      tpu.vector_store %arg7[%swap3A, %swap3A_28], %swap3A_31 {strides = array<i32>} : memref<256x128xf32, #tpu.memory_space<vmem>>, vector<1x16xf32>,
      %mul3A_32 = arith.constant 2 : i32
      %mul3A_33 = arith.muli %mul3A_32, %scan3A_22 : i32
      %add3A_34 = arith.constant 1 : i32
      %add3A_35 = arith.addi %mul3A_33, %add3A_34 : i32
      %get3A_36 = arith.index_cast %add3A_35 : i32 to index
      %get3A_37 = arith.constant 0 : index
      %get3A_38 = tpu.vector_load %arg6[%get3A_36, %get3A_37] {strides = array<i32>} : memref<512x64xf32, #tpu.memory_space<vmem>>, vector<1x16xf32>,
      %get3A_39 = vector.shape_cast %get3A_38 : vector<1x16xf32> to vector<16xf32>
      %swap3A_40 = arith.index_cast %scan3A_22 : i32 to index
      %swap3A_41 = arith.constant 64 : index
      %swap3A_42 = tpu.vector_load %arg7[%swap3A_40, %swap3A_41] {strides = array<i32>} : memref<256x128xf32, #tpu.memory_space<vmem>>, vector<1x16xf32>,
      %swap3A_43 = vector.shape_cast %swap3A_42 : vector<1x16xf32> to vector<16xf32>
      %swap3A_44 = vector.shape_cast %get3A_39 : vector<16xf32> to vector<1x16xf32>
      tpu.vector_store %arg7[%swap3A_40, %swap3A_41], %swap3A_44 {strides = array<i32>} : memref<256x128xf32, #tpu.memory_space<vmem>>, vector<1x16xf32>,
      %mul3A_45 = arith.constant 2 : i32
      %mul3A_46 = arith.muli %mul3A_45, %scan3A_22 : i32
      %get3A_47 = arith.index_cast %mul3A_46 : i32 to index
      %get3A_48 = arith.constant 16 : index
      %get3A_49 = tpu.vector_load %arg6[%get3A_47, %get3A_48] {strides = array<i32>} : memref<512x64xf32, #tpu.memory_space<vmem>>, vector<1x16xf32>,
      %get3A_50 = vector.shape_cast %get3A_49 : vector<1x16xf32> to vector<16xf32>
      %swap3A_51 = arith.index_cast %scan3A_22 : i32 to index
      %swap3A_52 = arith.constant 16 : index
      %swap3A_53 = tpu.vector_load %arg7[%swap3A_51, %swap3A_52] {strides = array<i32>} : memref<256x128xf32, #tpu.memory_space<vmem>>, vector<1x16xf32>,
      %swap3A_54 = vector.shape_cast %swap3A_53 : vector<1x16xf32> to vector<16xf32>
      %swap3A_55 = vector.shape_cast %get3A_50 : vector<16xf32> to vector<1x16xf32>
      tpu.vector_store %arg7[%swap3A_51, %swap3A_52], %swap3A_55 {strides = array<i32>} : memref<256x128xf32, #tpu.memory_space<vmem>>, vector<1x16xf32>,
      %mul3A_56 = arith.constant 2 : i32
      %mul3A_57 = arith.muli %mul3A_56, %scan3A_22 : i32
      %add3A_58 = arith.constant 1 : i32
      %add3A_59 = arith.addi %mul3A_57, %add3A_58 : i32
      %get3A_60 = arith.index_cast %add3A_59 : i32 to index
      %get3A_61 = arith.constant 16 : index
      %get3A_62 = tpu.vector_load %arg6[%get3A_60, %get3A_61] {strides = array<i32>} : memref<512x64xf32, #tpu.memory_space<vmem>>, vector<1x16xf32>,
      %get3A_63 = vector.shape_cast %get3A_62 : vector<1x16xf32> to vector<16xf32>
      %swap3A_64 = arith.index_cast %scan3A_22 : i32 to index
      %swap3A_65 = arith.constant 80 : index
      %swap3A_66 = tpu.vector_load %arg7[%swap3A_64, %swap3A_65] {strides = array<i32>} : memref<256x128xf32, #tpu.memory_space<vmem>>, vector<1x16xf32>,
      %swap3A_67 = vector.shape_cast %swap3A_66 : vector<1x16xf32> to vector<16xf32>
      %swap3A_68 = vector.shape_cast %get3A_63 : vector<16xf32> to vector<1x16xf32>
      tpu.vector_store %arg7[%swap3A_64, %swap3A_65], %swap3A_68 {strides = array<i32>} : memref<256x128xf32, #tpu.memory_space<vmem>>, vector<1x16xf32>,
      %mul3A_69 = arith.constant 2 : i32
      %mul3A_70 = arith.muli %mul3A_69, %scan3A_22 : i32
      %get3A_71 = arith.index_cast %mul3A_70 : i32 to index
      %get3A_72 = arith.constant 32 : index
      %get3A_73 = tpu.vector_load %arg6[%get3A_71, %get3A_72] {strides = array<i32>} : memref<512x64xf32, #tpu.memory_space<vmem>>, vector<1x16xf32>,
      %get3A_74 = vector.shape_cast %get3A_73 : vector<1x16xf32> to vector<16xf32>
      %swap3A_75 = arith.index_cast %scan3A_22 : i32 to index
      %swap3A_76 = arith.constant 32 : index
      %swap3A_77 = tpu.vector_load %arg7[%swap3A_75, %swap3A_76] {strides = array<i32>} : memref<256x128xf32, #tpu.memory_space<vmem>>, vector<1x16xf32>,
      %swap3A_78 = vector.shape_cast %swap3A_77 : vector<1x16xf32> to vector<16xf32>
      %swap3A_79 = vector.shape_cast %get3A_74 : vector<16xf32> to vector<1x16xf32>
      tpu.vector_store %arg7[%swap3A_75, %swap3A_76], %swap3A_79 {strides = array<i32>} : memref<256x128xf32, #tpu.memory_space<vmem>>, vector<1x16xf32>,
      %mul3A_80 = arith.constant 2 : i32
      %mul3A_81 = arith.muli %mul3A_80, %scan3A_22 : i32
      %add3A_82 = arith.constant 1 : i32
      %add3A_83 = arith.addi %mul3A_81, %add3A_82 : i32
      %get3A_84 = arith.index_cast %add3A_83 : i32 to index
      %get3A_85 = arith.constant 32 : index
      %get3A_86 = tpu.vector_load %arg6[%get3A_84, %get3A_85] {strides = array<i32>} : memref<512x64xf32, #tpu.memory_space<vmem>>, vector<1x16xf32>,
      %get3A_87 = vector.shape_cast %get3A_86 : vector<1x16xf32> to vector<16xf32>
      %swap3A_88 = arith.index_cast %scan3A_22 : i32 to index
      %swap3A_89 = arith.constant 96 : index
      %swap3A_90 = tpu.vector_load %arg7[%swap3A_88, %swap3A_89] {strides = array<i32>} : memref<256x128xf32, #tpu.memory_space<vmem>>, vector<1x16xf32>,
      %swap3A_91 = vector.shape_cast %swap3A_90 : vector<1x16xf32> to vector<16xf32>
      %swap3A_92 = vector.shape_cast %get3A_87 : vector<16xf32> to vector<1x16xf32>
      tpu.vector_store %arg7[%swap3A_88, %swap3A_89], %swap3A_92 {strides = array<i32>} : memref<256x128xf32, #tpu.memory_space<vmem>>, vector<1x16xf32>,
      %mul3A_93 = arith.constant 2 : i32
      %mul3A_94 = arith.muli %mul3A_93, %scan3A_22 : i32
      %get3A_95 = arith.index_cast %mul3A_94 : i32 to index
      %get3A_96 = arith.constant 48 : index
      %get3A_97 = tpu.vector_load %arg6[%get3A_95, %get3A_96] {strides = array<i32>} : memref<512x64xf32, #tpu.memory_space<vmem>>, vector<1x16xf32>,
      %get3A_98 = vector.shape_cast %get3A_97 : vector<1x16xf32> to vector<16xf32>
      %swap3A_99 = arith.index_cast %scan3A_22 : i32 to index
      %swap3A_100 = arith.constant 48 : index
      %swap3A_101 = tpu.vector_load %arg7[%swap3A_99, %swap3A_100] {strides = array<i32>} : memref<256x128xf32, #tpu.memory_space<vmem>>, vector<1x16xf32>,
      %swap3A_102 = vector.shape_cast %swap3A_101 : vector<1x16xf32> to vector<16xf32>
      %swap3A_103 = vector.shape_cast %get3A_98 : vector<16xf32> to vector<1x16xf32>
      tpu.vector_store %arg7[%swap3A_99, %swap3A_100], %swap3A_103 {strides = array<i32>} : memref<256x128xf32, #tpu.memory_space<vmem>>, vector<1x16xf32>,
      %mul3A_104 = arith.constant 2 : i32
      %mul3A_105 = arith.muli %mul3A_104, %scan3A_22 : i32
      %add3A_106 = arith.constant 1 : i32
      %add3A_107 = arith.addi %mul3A_105, %add3A_106 : i32
      %get3A_108 = arith.index_cast %add3A_107 : i32 to index
      %get3A_109 = arith.constant 48 : index
      %get3A_110 = tpu.vector_load %arg6[%get3A_108, %get3A_109] {strides = array<i32>} : memref<512x64xf32, #tpu.memory_space<vmem>>, vector<1x16xf32>,
      %get3A_111 = vector.shape_cast %get3A_110 : vector<1x16xf32> to vector<16xf32>
      %swap3A_112 = arith.index_cast %scan3A_22 : i32 to index
      %swap3A_113 = arith.constant 112 : index
      %swap3A_114 = tpu.vector_load %arg7[%swap3A_112, %swap3A_113] {strides = array<i32>} : memref<256x128xf32, #tpu.memory_space<vmem>>, vector<1x16xf32>,
      %swap3A_115 = vector.shape_cast %swap3A_114 : vector<1x16xf32> to vector<16xf32>
      %swap3A_116 = vector.shape_cast %get3A_111 : vector<16xf32> to vector<1x16xf32>
      tpu.vector_store %arg7[%swap3A_112, %swap3A_113], %swap3A_116 {strides = array<i32>} : memref<256x128xf32, #tpu.memory_space<vmem>>, vector<1x16xf32>,
    }
    %scan3A_19 = arith.constant 256 : i32
    %mul3A_20 = arith.constant 256 : i32
    %mul3A_21 = arith.muli %add3A, %mul3A_20 : i32
    "tpu.region"() ({
      %run_scoped3A = tpu.sem_alloc : memref<!tpu.dma_semaphore, #tpu.memory_space<semaphore_mem>>
      %dma_start3A = arith.constant 0 : i32
      %dma_start3A_22 = tpu.memref_slice %arg4[%mul3A_21, %dma_start3A] : memref<8192x128xf32, #tpu.memory_space<hbm>> -> memref<256x128xf32, #tpu.memory_space<hbm>>
      %dma_start3A_23 = arith.constant 0 : i32
      %dma_start3A_24 = tpu.memref_slice %arg4[%mul3A_21, %dma_start3A_23] : memref<8192x128xf32, #tpu.memory_space<hbm>> -> memref<256x128xf32, #tpu.memory_space<hbm>>
      tpu.enqueue_dma source(%arg7 : memref<256x128xf32, #tpu.memory_space<vmem>>) target(%dma_start3A_24 : memref<256x128xf32, #tpu.memory_space<hbm>>) target_semaphore(%run_scoped3A : memref<!tpu.dma_semaphore, #tpu.memory_space<semaphore_mem>>)
      %dma_wait3A = arith.constant 0 : i32
      %dma_wait3A_25 = tpu.memref_slice %arg4[%mul3A_21, %dma_wait3A] : memref<8192x128xf32, #tpu.memory_space<hbm>> -> memref<256x128xf32, #tpu.memory_space<hbm>>
      %dma_wait3A_26 = arith.constant 0 : i32
      %dma_wait3A_27 = tpu.memref_slice %arg4[%mul3A_21, %dma_wait3A_26] : memref<8192x128xf32, #tpu.memory_space<hbm>> -> memref<256x128xf32, #tpu.memory_space<hbm>>
      tpu.wait_dma2 semaphore(%run_scoped3A : memref<!tpu.dma_semaphore, #tpu.memory_space<semaphore_mem>>) src(%arg7 : memref<256x128xf32, #tpu.memory_space<vmem>>) dst(%dma_wait3A_27 : memref<256x128xf32, #tpu.memory_space<hbm>>)
      tpu.yield
    }) : () -> ()
    return
  }
}

</mosaic_0001>

<sc_bundles>
// kernel: _gather.3.cloned.1.call-start
scs
__scs_entry_jumppad:
0x0: {  	(pc) =	sbr.rel $0x88, $3  }
0x1: {  	(tag) =	ssettag $0x0;
	lr =	simm.s32 $0x1  }
0x2: {  	[smem:$0x3F9F] =	sst lr;
	_ =	strace $0xD0000000  }
0x3: {  	_ = 	snop  }
0x4: {  	_ = 	snop  }
0x5: {  	_ = 	snop  }
0x6: {  	_ = 	snop  }
0x7: {  	_ = 	snop  }
__scs_overlays_trampoline_lowered:
0x8: {  	[smem:$0x3FAE] =	sst s0  }
0x9: {  	[smem:$0x3FAF] =	sst s1  }
0xa: {  	[smem:$0x3FB0] =	sst s2  }
0xb: {  	[smem:$0x3FB1] =	sst s3  }
0xc: {  	[smem:$0x3FB2] =	sst s4  }
0xd: {  	[smem:$0x3FB3] =	sst s5  }
0xe: {  	[smem:$0x3FB4] =	sst s6  }
0xf: {  	[smem:$0x3FB5] =	sst s7  }
0x10: {  	[smem:$0x3FB6] =	sst s8  }
0x11: {  	[smem:$0x3FB7] =	sst s9;
	s0 =	simm.s32 @!p0 $0x0  }
0x12: {  	s1 =	sld [smem:$0x3F9D];
	s0 =	simm.s32 @p0 $0x1  }
0x13: {  	[smem:$0x3FB8] =	sst s0;
	s0 =	simm.s32 @!p1 $0x0  }
0x14: {  	s2 =	sld [smem:$0x3F9C];
	s0 =	simm.s32 @p1 $0x1  }
0x15: {  	[smem:$0x3FB9] =	sst s0;
	s0 =	simm.s32 @!p2 $0x0  }
0x16: {  	s3 =	sld [smem:$0x3FDB];
	s0 =	simm.s32 @p2 $0x1  }
0x17: {  	s4 =	simm.s32 $0x1BF5;
	[smem:$0x3FBB] =	sst s0  }
0x18: {  	s0 =	sld [smem:$0x3F9E];
	_ =	swait.ge [sflag:s4], $0x0  }
0x19: {  	s7 =	sld [smem:$0x3F9F]  }
0x1a: {  	s8 =	sadd.s32 $0xFFFFE003, lr  }
0x1b: {  	s9 =	sadd.s32 $0xFFFFFEF7, lr;
	s5 =	simm.s32 $0xFFFFFFFF;
	p2 =	slt.u32 s8, $0xFFFFF086  }
0x1c: {  	p1 =	slt.u32 s9, $0xF7A;
	s5 =	simm.s32 @!p2 $0x0  }
0x1d: {  	s5 =	simm.s32 @p1 $0x1;
	p0 =	seq.s32 s7, s2  }
0x1e: {  	s7 =	smul.u32 @!p0 $0xF7A, s2;
	p2 =	seq.s32 @!p0 s5, $0x0  }
0x1f: {  	s9 =	smul.u32 $0xF7A, s1;
	s8 =	simm.s32 @!p0 $0x1BF5;
	p2 =	por !p2, p0  }
0x20: {  	[sflag:s8] =	ssyncset.s32 @!p0 $0xFFFFF086;
	s6 =	sadd.s32 @!p0 s3, s7;
	s7 =	simm.s32 @!p0 $0x108  }
0x21: {  	s3 =	sadd.s32 s3, s9;
	s6 =	sadd.s32 @!p0 $0x88, s6;
	s7 =	simm.s32 @p2 $0x1082  }
0x22: {  	[simem:s7], [sflag:s8] =	dma.local @!p0 [hbm:s6], $0xF7A  }
0x23: {  	s9 =	sor.u32 $0xD0000000, s2;
	s6 =	simm.s32 $0x108;
	_ =	swait.ge @!p0 [sflag:s8], $0x0  }
0x24: {  	s3 =	sadd.s32 $0x88, s3;
	s6 =	simm.s32 @!p1 $0x1082;
	[sflag:s4] =	ssyncset.s32 $0xFFFFF086  }
0x25: {  	[simem:s6], [sflag:s4] =	dma.local [hbm:s3], $0xF7A  }
0x26: {  	[smem:$0x3F9F] =	sst s1;
	(tag) =	ssettag s2;
	_ =	strace s9  }
0x27: {  	s1 =	sld [smem:$0x3FAF]  }
0x28: {  	s2 =	sld [smem:$0x3FB0]  }
0x29: {  	s4 =	sld [smem:$0x3FB2]  }
0x2a: {  	p0 =	seq.s32 s5, $0x0;
	s5 =	sld [smem:$0x3FB3]  }
0x2b: {  	s6 =	sld [smem:$0x3FB4]  }
0x2c: {  	s7 =	sld [smem:$0x3FB5]  }
0x2d: {  	s3 =	simm.s32 $0x108;
	s8 =	sld [smem:$0x3FB6]  }
0x2e: {  	s3 =	simm.s32 @!p0 $0x1082;
	s9 =	sld [smem:$0x3FB7]  }
0x2f: {  	lr =	sadd.s32 s0, s3;
	s0 =	sld [smem:$0x3FAE]  }
0x30: {  	s3 =	sld [smem:$0x3FB1]  }
0x31: {  	[smem:$0x3FBA] =	sst s10  }
0x32: {  	s10 =	sld [smem:$0x3FB8];
	_ =	sdelay $0x3  }
0x33: {  	p0 =	seq.s32 s10, $0x1;
	s10 =	sld [smem:$0x3FBA];
	_ =	sdelay $0x3  }
0x34: {  	[smem:$0x3FBA] =	sst s10  }
0x35: {  	s10 =	sld [smem:$0x3FB9];
	_ =	sdelay $0x3  }
0x36: {  	p1 =	seq.s32 s10, $0x1;
	s10 =	sld [smem:$0x3FBA];
	_ =	sdelay $0x3  }
0x37: {  	[smem:$0x3FBA] =	sst s10  }
0x38: {  	s10 =	sld [smem:$0x3FBB]  }
0x39: {  	_ = 	snop;
	(pc) =	sbr.ind lr, $3  }
0x3a: {  	_ = 	snop  }
0x3b: {  	_ = 	snop  }
0x3c: {  	p2 =	seq.s32 s10, $0x1;
	s10 =	sld [smem:$0x3FBA]  }
0x3d: {  	_ =	shalt  }
0x3e: {  	_ =	shalt  }
0x3f: {  	_ =	shalt  }
0x40: {  	_ =	shalt  }
0x41: {  	_ =	shalt  }
0x42: {  	_ =	shalt  }
0x43: {  	_ =	shalt  }
0x44: {  	_ =	shalt  }
0x45: {  	_ =	shalt  }
0x46: {  	_ =	shalt  }
0x47: {  	_ =	shalt  }
0x48: {  	_ =	shalt  }
0x49: {  	_ =	shalt  }
0x4a: {  	_ =	shalt  }
0x4b: {  	_ =	shalt  }
0x4c: {  	_ =	shalt  }
0x4d: {  	_ =	shalt  }
0x4e: {  	_ =	shalt  }
0x4f: {  	_ =	shalt  }
0x50: {  	_ =	shalt  }
0x51: {  	_ =	shalt  }
0x52: {  	_ =	shalt  }
0x53: {  	_ =	shalt  }
0x54: {  	_ =	shalt  }
0x55: {  	_ =	shalt  }
0x56: {  	_ =	shalt  }
0x57: {  	_ =	shalt  }
0x58: {  	_ =	shalt  }
0x59: {  	_ =	shalt  }
0x5a: {  	_ =	shalt  }
0x5b: {  	_ =	shalt  }
0x5c: {  	_ =	shalt  }
0x5d: {  	_ =	shalt  }
0x5e: {  	_ =	shalt  }
0x5f: {  	_ =	shalt  }
0x60: {  	_ =	shalt  }
0x61: {  	_ =	shalt  }
0x62: {  	_ =	shalt  }
0x63: {  	_ =	shalt  }
0x64: {  	_ =	shalt  }
0x65: {  	_ =	shalt  }
0x66: {  	_ =	shalt  }
0x67: {  	_ =	shalt  }
0x68: {  	_ =	shalt  }
0x69: {  	_ =	shalt  }
0x6a: {  	_ =	shalt  }
0x6b: {  	_ =	shalt  }
0x6c: {  	_ =	shalt  }
0x6d: {  	_ =	shalt  }
0x6e: {  	_ =	shalt  }
0x6f: {  	_ =	shalt  }
0x70: {  	_ =	shalt  }
0x71: {  	_ =	shalt  }
0x72: {  	_ =	shalt  }
0x73: {  	_ =	shalt  }
0x74: {  	_ =	shalt  }
0x75: {  	_ =	shalt  }
0x76: {  	_ =	shalt  }
0x77: {  	_ =	shalt  }
0x78: {  	_ =	shalt  }
0x79: {  	_ =	shalt  }
0x7a: {  	_ =	shalt  }
0x7b: {  	_ =	shalt  }
0x7c: {  	_ =	shalt  }
0x7d: {  	_ =	shalt  }
0x7e: {  	_ =	shalt  }
0x7f: {  	_ =	shalt  }
0x80: {  	_ =	shalt  }
0x81: {  	_ =	shalt  }
0x82: {  	_ =	shalt  }
0x83: {  	_ =	shalt  }
0x84: {  	_ =	shalt  }
0x85: {  	_ =	shalt  }
0x86: {  	_ =	shalt  }
0x87: {  	_ =	shalt  }
.Lfunc_end0:
.L_simem_size_0:
called_computation_lowered:
.L_overlay_start_0:
0x88: {  	s2 =	sld [smem:$0x3FD9]  }
0x89: {  	s3 =	sld [smem:$0x3FFE];
	_ =	sdelay $0x1  }
0x8a: {  	s1 =	srdreg.scid  }
0x8b: {  	s0 =	sand.u32 $0x1, s1  }
0x8c: {  	s17 =	sshll.u32 s0, $0xA;
	s2 =	sadd.s32 s3, s2  }
0x8d: {  	s2 =	sadd.s32 s2, s17  }
0x8e: {  	[smem:$0x3FC6] =	sst s2  }
0x8f: {  	_ = 	snop  }
0x90: {  	s2 =	sld [smem:$0x3FC8]  }
0x91: {  	s18 =	sld [smem:$0x3FD0];
	(tm) =	ssettm $0x1  }
0x92: {  	s4 =	sld [smem:$0x3FFB];
	_ =	sdelay $0x3  }
0x93: {  	_ =	strace s4  }
0x94: {  	s4 =	sld [smem:$0x3FFC];
	_ =	sdelay $0x3  }
0x95: {  	_ =	strace s4  }
0x96: {  	s4 =	sld [smem:$0x3FFD];
	_ =	sdelay $0x3  }
0x97: {  	_ =	strace s4  }
0x98: {  	_ =	strace $0x8FFFFFFF  }
0x99: {  	s19 =	sld [smem:$0x3FDB];
	_ =	sdelay $0x1  }
0x9a: {  	s5 =	simm.s32 $_scs_section_size  }
0x9b: {  	s6 =	simm.s32 $_size__tile_overlayer_lowered;
	s7 =	simm.s32 $_tile_overlayer_lowered  }
0x9c: {  	s22 =	simm.s32 $0x1BFF;
	s21 =	sshll.u32 s7, $0x1;
	s4 =	sadd.s32 s5, s19  }
0x9d: {  	s8 =	simm.s32 $0x0;
	s20 =	sshll.u32 s6, $0x1;
	s6 =	sadd.s32 s21, s4  }
0x9e: {  	[timem:s8], [sflag:s22] =	dma.local [hbm:s6], s20  }
0x9f: {  	_ =	swait.ge [sflag:s22], s20  }
0xa0: {  	s5 =	ssub.s32 $0x0, s20;
	[sflag:s22] =	ssyncset.done $0x0  }
0xa1: {  	[sflag:s22] =	ssyncadd.s32 s5;
	_ =	sdelay $0x1  }
0xa2: {  	s23 =	simm.s32 $0x1B8B  }
0xa3: {  	_ =	swait.ge [sflag:s23], $0x1  }
0xa4: {  	[sflag:s23] =	ssyncset.done $0x0  }
0xa5: {  	s25 =	simm.s32 $0x1B8E;
	s24 =	sld [smem:$0x3FFE];
	[sflag:s23] =	ssyncadd.s32 $0xFFFFFFFF  }
0xa6: {  	s26 =	simm.s32 $execute0_lowered;
	[smem:$0x3FD2] =	sst s25  }
0xa7: {  	s6 =	sshll.u32 s26, $0x1;
	_ =	strace $0x80000046;
	[dreg:$0x1] =	wrdreg $0xFFFFFFFF  }
0xa8: {  	s28 =	simm.s32 $_size_execute0_lowered;
	s4 =	sadd.s32 s4, s6;
	[dreg:$0x0] =	wrdreg $0x0  }
0xa9: {  	s6 =	sshll.u32 s28, $0x1;
	[dreg:$0x2] =	wrdreg s4  }
0xaa: {  	[dreg:$0x3] =	wrdreg s6  }
0xab: {  	[dreg:$0x4] =	wrdreg $0xC0  }
0xac: {  	_ =	task [dreg:s8], $0x5FFFF  }
0xad: {  	[dreg:$0x1] =	wrdreg $0xFFFFFFFF  }
0xae: {  	[dreg:$0x0] =	wrdreg $0x60  }
0xaf: {  	[dreg:$0x2] =	wrdreg s24  }
0xb0: {  	[dreg:$0x3] =	wrdreg s2  }
0xb1: {  	[dreg:$0x4] =	wrdreg s18  }
0xb2: {  	[dreg:$0x5] =	wrdreg $0x9  }
0xb3: {  	_ =	task.clear_ibuf [dreg:s8], $0x6FFFF;
	_ =	strace $0x90000046  }
0xb4: {  	s29 =	simm.s32 $0x9;
	_ =	strace $0x80000048  }
0xb5: {  	_ =	swait.ge [sflag:s29], $0x1  }
0xb6: {  	[sflag:s29] =	ssyncadd.s32 $0xFFFFFFFF  }
0xb7: {  	_ =	strace $0x90000048  }
0xb8: {  	_ =	sfence  }
0xb9: {  	s30 =	sld [smem:$0x0];
	_ =	sdelay $0x2  }
0xba: {  	s31 =	sshll.u32 s1, $0xD;
	s1 =	sshrl.u32 s1, $0x2  }
0xbb: {  	s3 =	sand.u32 $0x4000, s31;
	s1 =	sadd.s32 s1, s30  }
0xbc: {  	s0 =	sor.u32 s3, s0;
	s1 =	sshll.u32 s1, $0x11  }
0xbd: {  	s0 =	sor.u32 s1, s0  }
0xbe: {  	s0 =	sadd.s32 $0x8F2B, s0  }
0xbf: {  	[sflag:s0] =	ssyncadd.remote.s32 $0x1  }
0xc0: {  	_ =	sfence.sel $0xFFFF  }
0xc1: {  	[dreg:$0x0] =	wrdreg $0xFFFFFFFF;
	(pc) =	sbr.abs _section_cstart, $3  }
0xc2: {  	[dreg:$0x1] =	wrdreg $0xFFFFFFFF  }
0xc3: {  	_ =	task.clear_ibuf [dreg:s8], $0x2FFFF;
	_ =	strace $0x9FFFFFFF  }
0xc4: {  	(tm) =	ssettm $0x7FFFFFFF  }
0xc5: {  	_ =	shalt  }
tec
execute0_lowered:
.L_overlay_start_1:
0x0: {  	(tag) =	ssettag $0x1  }
0x1: {  	s3 =	rddreg [dreg:$0x0]  }
0x2: {  	s4 =	rddreg [dreg:$0x1]  }
0x3: {  	s5 =	rddreg [dreg:$0x2]  }
0x4: {  	s0 =	rddreg [dreg:$0x3]  }
0x5: {  	s2 =	simm.s32 $0x0;
	s6 =	srdreg.scid;
	s1 =	stileid.u32  }
0x6: {  	s10 =	simm.s32 $0x0;
	[smem:$0x7FF] =	sst s2;
	s6 =	sand.u32 $0x1, s6  }
0x7: {  	s7 =	sshll.u32 s1, $0x1;
	s3 =	sadd.s32 $0x400, s3;
	s8 =	ssub.s32 $0x2, s6  }
0x8: {  	_ =	strace $0x80000047;
	s6 =	sor.u32 s6, s7;
	s31 =	sshrl.u32 s8, $0x1  }
0x9: {  	s9 =	sshll.u32 s6, $0x6;
	s6 =	sshll.u32 s6, $0xC;
	s7 =	ssub.s32 s8, s31  }
0xa: {  	s4 =	sadd.s32 s4, s9;
	s5 =	sadd.s32 s5, s6;
	s8 =	simm.s32 $0x1  }
0xb: {  	s9 =	simm.s32 $0x10200;
	s6 =	smax.u32 s7, $0x1;
	s7 =	simm.s32 $0x2  }
.LBB2_1:
0xc: {  	[tilespmem:s2], [sflag:$0x2] =	stream.linear.gather [hbm4b:s4+s2], $0x200, $0x38;
	[tilespmem:$0x18200] =	vst v63  }
0xd: {  	_ =	swait.ge [sflag:s7], $0x200  }
0xe: {  	[sflag:s7] =	ssyncset.done $0x0  }
0xf: {  	[sflag:s7] =	ssyncadd.s32 $0xFFFFFE00  }
0x10: {  	v0 =	vld [tilespmem:s2+$0x0];
	_ =	sdelay $0x4  }
0x11: {  	v0 =	vshll.u32 v0, $0x4  }
0x12: {  	(v2sf) =	vpush v0, $0x0  }
0x13: {  	(v2sf) =	vpush v0, $0x1  }
0x14: {  	(v2sf) =	vpush v0, $0x2;
	_ =	sdelay $0x1  }
0x15: {  	(v2sf) =	vpush v0, $0x4;
	_ =	sdelay $0x1  }
0x16: {  	(v2sf) =	vpush v0, $0x3  }
0x17: {  	(v2sf) =	vpush v0, $0x5  }
0x18: {  	s12 =	simm.s32 $0x2000;
	s11 =	simm.s32 $0x0;
	s13 =	simm.s32 $0x0;
	(v2sf) =	vpush v0, $0x6  }
.LBB2_2:
0x19: {  	p0 =	sne.s32 s12, $0x3E000  }
0x1a: {  	s23 =	sadd.s32 $0x280, s11;
	s17 =	sadd.s32 $0x780, s11;
	s14 =	smov.u32 s12  }
0x1b: {  	s12 =	sadd.s32 $0x2000, s12;
	s20 =	sadd.s32 $0x580, s11;
	s15 =	sadd.s32 $0x800, s11;
	(v2sf) =	vpush v0, $0x7  }
0x1c: {  	s22 =	sadd.s32 $0x480, s11;
	s19 =	sadd.s32 $0x600, s11;
	s16 =	sadd.s32 $0x880, s11  }
0x1d: {  	s24 =	sadd.s32 $0x200, s11;
	s25 =	sadd.s32 $0x400, s11;
	(v2sf) =	vpush v0, $0x8  }
0x1e: {  	s26 =	sadd.s32 $0x500, s11;
	s13 =	sadd.s32 $0x10, s13  }
0x1f: {  	s28 =	sadd.s32 $0x300, s11;
	s18 =	sadd.s32 $0x700, s11;
	s21 =	spop (v2sf);
	(v2sf) =	vpush v0, $0x9  }
0x20: {  	s29 =	sand.u32 $0x1FFFFFF0, s21;
	s21 =	sadd.s32 $0x680, s11;
	s30 =	spop (v2sf)  }
0x21: {  	s29 =	sadd.s32 s3, s29;
	s30 =	sand.u32 $0x1FFFFFF0, s30;
	s31 =	spop (v2sf);
	(v2sf) =	vpush v0, $0xA  }
0x22: {  	[tilespmem:s24], [sflag:$0x1] =	stream.linear.gather [hbm4b:s29+s2], $0x80, $0x38;
	[tilespmem:$0x18200] =	vst v63  }
0x23: {  	s24 =	sadd.s32 s3, s30;
	s29 =	sadd.s32 $0x380, s11;
	s30 =	spop (v2sf);
	(v2sf) =	vpush v0, $0xB  }
0x24: {  	[tilespmem:s23], [sflag:$0x1] =	stream.linear.gather [hbm4b:s24+s2], $0x80, $0x38;
	[tilespmem:$0x18200] =	vst v63  }
0x25: {  	s23 =	sand.u32 $0x1FFFFFF0, s31;
	s24 =	sand.u32 $0x1FFFFFF0, s30;
	s30 =	spop (v2sf);
	(v2sf) =	vpush v0, $0xC  }
0x26: {  	s23 =	sadd.s32 s3, s23;
	s30 =	sand.u32 $0x1FFFFFF0, s30;
	s31 =	spop (v2sf)  }
0x27: {  	[tilespmem:s28], [sflag:$0x1] =	stream.linear.gather [hbm4b:s23+s2], $0x80, $0x38;
	(v2sf) =	vpush v0, $0xD;
	[tilespmem:$0x18200] =	vst v63  }
0x28: {  	s23 =	sadd.s32 s3, s30;
	s28 =	sand.u32 $0x1FFFFFF0, s31;
	s30 =	spop (v2sf)  }
0x29: {  	[tilespmem:s29], [sflag:$0x1] =	stream.linear.gather [hbm4b:s23+s2], $0x80, $0x38;
	(v2sf) =	vpush v0, $0xE;
	[tilespmem:$0x18200] =	vst v63  }
0x2a: {  	s23 =	sadd.s32 s3, s24;
	s24 =	sand.u32 $0x1FFFFFF0, s30;
	s29 =	spop (v2sf)  }
0x2b: {  	[tilespmem:s25], [sflag:$0x1] =	stream.linear.gather [hbm4b:s23+s2], $0x80, $0x38;
	(v2sf) =	vpush v0, $0xF;
	[tilespmem:$0x18200] =	vst v63  }
0x2c: {  	s23 =	sadd.s32 s3, s28;
	s25 =	sand.u32 $0x1FFFFFF0, s29;
	s28 =	spop (v2sf)  }
0x2d: {  	[tilespmem:s22], [sflag:$0x1] =	stream.linear.gather [hbm4b:s23+s2], $0x80, $0x38;
	[tilespmem:$0x18200] =	vst v63  }
0x2e: {  	s22 =	sadd.s32 s3, s24;
	s23 =	sand.u32 $0x1FFFFFF0, s28;
	s24 =	spop (v2sf)  }
0x2f: {  	[tilespmem:s26], [sflag:$0x1] =	stream.linear.gather [hbm4b:s22+s2], $0x80, $0x38;
	[tilespmem:$0x18200] =	vst v63  }
0x30: {  	s22 =	sadd.s32 s3, s25;
	s24 =	sand.u32 $0x1FFFFFF0, s24;
	s25 =	spop (v2sf)  }
0x31: {  	[tilespmem:s20], [sflag:$0x1] =	stream.linear.gather [hbm4b:s22+s2], $0x80, $0x38;
	[tilespmem:$0x18200] =	vst v63  }
0x32: {  	s20 =	sadd.s32 s3, s23;
	s22 =	sand.u32 $0x1FFFFFF0, s25;
	s23 =	spop (v2sf)  }
0x33: {  	[tilespmem:s19], [sflag:$0x1] =	stream.linear.gather [hbm4b:s20+s2], $0x80, $0x38;
	[tilespmem:$0x18200] =	vst v63  }
0x34: {  	s19 =	sadd.s32 s3, s24;
	s20 =	sand.u32 $0x1FFFFFF0, s23;
	s23 =	spop (v2sf)  }
0x35: {  	[tilespmem:s21], [sflag:$0x1] =	stream.linear.gather [hbm4b:s19+s2], $0x80, $0x38;
	[tilespmem:$0x18200] =	vst v63  }
0x36: {  	s19 =	sadd.s32 s3, s22;
	s21 =	sand.u32 $0x1FFFFFF0, s23;
	s22 =	spop (v2sf)  }
0x37: {  	[tilespmem:s18], [sflag:$0x1] =	stream.linear.gather [hbm4b:s19+s2], $0x80, $0x38;
	[tilespmem:$0x18200] =	vst v63  }
0x38: {  	s18 =	sadd.s32 s3, s20;
	s19 =	sand.u32 $0x1FFFFFF0, s22;
	s20 =	spop (v2sf)  }
0x39: {  	[tilespmem:s17], [sflag:$0x1] =	stream.linear.gather [hbm4b:s18+s2], $0x80, $0x38;
	[tilespmem:$0x18200] =	vst v63  }
0x3a: {  	s17 =	sadd.s32 s3, s21;
	s18 =	sand.u32 $0x1FFFFFF0, s20;
	s20 =	spop (v2sf)  }
0x3b: {  	[tilespmem:s15], [sflag:$0x1] =	stream.linear.gather [hbm4b:s17+s2], $0x80, $0x38;
	[tilespmem:$0x18200] =	vst v63  }
0x3c: {  	s15 =	sadd.s32 s3, s19;
	s17 =	sand.u32 $0x1FFFFFF0, s20  }
0x3d: {  	[tilespmem:s16], [sflag:$0x1] =	stream.linear.gather [hbm4b:s15+s2], $0x80, $0x38;
	[tilespmem:$0x18200] =	vst v63  }
0x3e: {  	s15 =	sadd.s32 $0x900, s11;
	s16 =	sadd.s32 s3, s18  }
0x3f: {  	[tilespmem:s15], [sflag:$0x1] =	stream.linear.gather [hbm4b:s16+s2], $0x80, $0x38;
	[tilespmem:$0x18200] =	vst v63  }
0x40: {  	s11 =	sadd.s32 $0x980, s11;
	s15 =	sadd.s32 s3, s17  }
0x41: {  	[tilespmem:s11], [sflag:$0x1] =	stream.linear.gather [hbm4b:s15+s2], $0x80, $0x38;
	[tilespmem:$0x18200] =	vst v63  }
0x42: {  	v0 =	vld [tilespmem:s13+$0x0];
	_ =	sdelay $0x4  }
0x43: {  	v0 =	vshll.u32 v0, $0x4  }
0x44: {  	(v2sf) =	vpush v0, $0x0  }
0x45: {  	(v2sf) =	vpush v0, $0x1  }
0x46: {  	(v2sf) =	vpush v0, $0x2;
	_ =	sdelay $0x1  }
0x47: {  	(v2sf) =	vpush v0, $0x4  }
.Ltmp0:
0x48: {  	(pc) =	sbr.rel @p0 .LBB2_2-.Ltmp0, $3  }
0x49: {  	(v2sf) =	vpush v0, $0x3  }
0x4a: {  	(v2sf) =	vpush v0, $0x5;
	_ =	sdelay $0x1  }
0x4b: {  	s11 =	sshra.s32 s14, $0x2;
	(v2sf) =	vpush v0, $0x6  }
0x4c: {  	_ =	sdelay $0x1  }
0x4d: {  	s15 =	sadd.s32 $0x280, s11;
	s14 =	sadd.s32 $0x780, s11  }
0x4e: {  	s16 =	sadd.s32 $0x580, s11;
	s12 =	sadd.s32 $0x800, s11;
	(v2sf) =	vpush v0, $0x7;
	s17 =	sadd.s32 $0x480, s11  }
0x4f: {  	s18 =	sadd.s32 $0x600, s11;
	s13 =	sadd.s32 $0x880, s11;
	s19 =	sadd.s32 $0x200, s11  }
0x50: {  	s20 =	sadd.s32 $0x400, s11;
	s21 =	sadd.s32 $0x500, s11;
	(v2sf) =	vpush v0, $0x8;
	s22 =	spop (v2sf)  }
0x51: {  	s23 =	sadd.s32 $0x300, s11;
	s22 =	sand.u32 $0x1FFFFFF0, s22;
	s24 =	spop (v2sf)  }
0x52: {  	(v2sf) =	vpush v0, $0x9;
	s22 =	sadd.s32 s3, s22;
	s24 =	sand.u32 $0x1FFFFFF0, s24;
	s25 =	spop (v2sf)  }
0x53: {  	[tilespmem:s19], [sflag:$0x1] =	stream.linear.gather [hbm4b:s22+s2], $0x80, $0x38;
	[tilespmem:$0x18200] =	vst v63  }
0x54: {  	s26 =	sadd.s32 $0x380, s11;
	(v2sf) =	vpush v0, $0xA;
	s30 =	sadd.s32 s3, s24;
	s31 =	spop (v2sf)  }
0x55: {  	[tilespmem:s15], [sflag:$0x1] =	stream.linear.gather [hbm4b:s30+s2], $0x80, $0x38;
	[tilespmem:$0x18200] =	vst v63  }
0x56: {  	s19 =	sadd.s32 $0x700, s11;
	s28 =	sand.u32 $0x1FFFFFF0, s25;
	(v2sf) =	vpush v0, $0xB;
	s29 =	spop (v2sf)  }
0x57: {  	s22 =	sadd.s32 s3, s28;
	s15 =	sadd.s32 $0x680, s11;
	s25 =	sand.u32 $0x1FFFFFF0, s29  }
0x58: {  	(v2sf) =	vpush v0, $0xC;
	[tilespmem:s23], [sflag:$0x1] =	stream.linear.gather [hbm4b:s22+s2], $0x80, $0x38;
	[tilespmem:$0x18200] =	vst v63  }
0x59: {  	s30 =	sand.u32 $0x1FFFFFF0, s31;
	s31 =	spop (v2sf);
	s28 =	sadd.s32 s3, s25  }
0x5a: {  	(v2sf) =	vpush v0, $0xD;
	[tilespmem:s26], [sflag:$0x1] =	stream.linear.gather [hbm4b:s28+s2], $0x80, $0x38;
	[tilespmem:$0x18200] =	vst v63  }
0x5b: {  	s22 =	sadd.s32 s3, s30;
	s23 =	sand.u32 $0x1FFFFFF0, s31;
	s29 =	spop (v2sf)  }
0x5c: {  	(v2sf) =	vpush v0, $0xE;
	[tilespmem:s20], [sflag:$0x1] =	stream.linear.gather [hbm4b:s22+s2], $0x80, $0x38;
	[tilespmem:$0x18200] =	vst v63  }
0x5d: {  	s23 =	sadd.s32 s3, s23;
	s30 =	sand.u32 $0x1FFFFFF0, s29;
	s31 =	spop (v2sf)  }
0x5e: {  	(v2sf) =	vpush v0, $0xF;
	[tilespmem:s17], [sflag:$0x1] =	stream.linear.gather [hbm4b:s23+s2], $0x80, $0x38;
	[tilespmem:$0x18200] =	vst v63  }
0x5f: {  	s24 =	sand.u32 $0x1FFFFFF0, s31;
	s25 =	spop (v2sf);
	s20 =	sadd.s32 s3, s30  }
0x60: {  	[tilespmem:s21], [sflag:$0x1] =	stream.linear.gather [hbm4b:s20+s2], $0x80, $0x38;
	[tilespmem:$0x18200] =	vst v63  }
0x61: {  	s26 =	sand.u32 $0x1FFFFFF0, s25;
	s17 =	sadd.s32 s3, s24;
	s28 =	spop (v2sf)  }
0x62: {  	[tilespmem:s16], [sflag:$0x1] =	stream.linear.gather [hbm4b:s17+s2], $0x80, $0x38;
	[tilespmem:$0x18200] =	vst v63  }
0x63: {  	s20 =	sadd.s32 s3, s26;
	s29 =	sand.u32 $0x1FFFFFF0, s28;
	s30 =	spop (v2sf)  }
0x64: {  	[tilespmem:s18], [sflag:$0x1] =	stream.linear.gather [hbm4b:s20+s2], $0x80, $0x38;
	[tilespmem:$0x18200] =	vst v63  }
0x65: {  	s17 =	sand.u32 $0x1FFFFFF0, s30;
	s16 =	sadd.s32 s3, s29;
	s31 =	spop (v2sf)  }
0x66: {  	[tilespmem:s15], [sflag:$0x1] =	stream.linear.gather [hbm4b:s16+s2], $0x80, $0x38;
	[tilespmem:$0x18200] =	vst v63  }
0x67: {  	s17 =	sadd.s32 s3, s17;
	s20 =	sand.u32 $0x1FFFFFF0, s31;
	s21 =	spop (v2sf)  }
0x68: {  	[tilespmem:s19], [sflag:$0x1] =	stream.linear.gather [hbm4b:s17+s2], $0x80, $0x38;
	[tilespmem:$0x18200] =	vst v63  }
0x69: {  	s15 =	sadd.s32 s3, s20;
	s16 =	sand.u32 $0x1FFFFFF0, s21;
	s22 =	spop (v2sf)  }
0x6a: {  	[tilespmem:s14], [sflag:$0x1] =	stream.linear.gather [hbm4b:s15+s2], $0x80, $0x38;
	[tilespmem:$0x18200] =	vst v63  }
0x6b: {  	s23 =	sand.u32 $0x1FFFFFF0, s22;
	s16 =	sadd.s32 s3, s16;
	s24 =	spop (v2sf)  }
0x6c: {  	[tilespmem:s12], [sflag:$0x1] =	stream.linear.gather [hbm4b:s16+s2], $0x80, $0x38;
	[tilespmem:$0x18200] =	vst v63  }
0x6d: {  	s25 =	sand.u32 $0x1FFFFFF0, s24;
	s26 =	spop (v2sf);
	s14 =	sadd.s32 s3, s23  }
0x6e: {  	[tilespmem:s13], [sflag:$0x1] =	stream.linear.gather [hbm4b:s14+s2], $0x80, $0x38;
	[tilespmem:$0x18200] =	vst v63  }
0x6f: {  	s29 =	sadd.s32 $0x900, s11;
	s28 =	sand.u32 $0x1FFFFFF0, s26;
	s12 =	sadd.s32 s3, s25  }
0x70: {  	[tilespmem:s29], [sflag:$0x1] =	stream.linear.gather [hbm4b:s12+s2], $0x80, $0x38;
	[tilespmem:$0x18200] =	vst v63  }
0x71: {  	s30 =	sadd.s32 $0x980, s11;
	s31 =	sadd.s32 s3, s28  }
0x72: {  	[tilespmem:s30], [sflag:$0x1] =	stream.linear.gather [hbm4b:s31+s2], $0x80, $0x38;
	[tilespmem:$0x18200] =	vst v63  }
0x73: {  	_ =	swait.ge [sflag:s8], $0x80  }
0x74: {  	[sflag:s8] =	ssyncset.done $0x0  }
0x75: {  	[sflag:s8] =	ssyncadd.s32 $0xFFFFFF80  }
0x76: {  	_ =	swait.ge [sflag:s8], $0x80  }
0x77: {  	[sflag:s8] =	ssyncset.done $0x0  }
0x78: {  	[sflag:s8] =	ssyncadd.s32 $0xFFFFFF80  }
0x79: {  	_ =	swait.ge [sflag:s8], $0x80  }
0x7a: {  	[sflag:s8] =	ssyncset.done $0x0  }
0x7b: {  	[sflag:s8] =	ssyncadd.s32 $0xFFFFFF80  }
0x7c: {  	_ =	swait.ge [sflag:s8], $0x80  }
0x7d: {  	[sflag:s8] =	ssyncset.done $0x0  }
0x7e: {  	[sflag:s8] =	ssyncadd.s32 $0xFFFFFF80  }
0x7f: {  	_ =	swait.ge [sflag:s8], $0x80  }
0x80: {  	[sflag:s8] =	ssyncset.done $0x0  }
0x81: {  	[sflag:s8] =	ssyncadd.s32 $0xFFFFFF80  }
0x82: {  	_ =	swait.ge [sflag:s8], $0x80  }
0x83: {  	[sflag:s8] =	ssyncset.done $0x0  }
0x84: {  	[sflag:s8] =	ssyncadd.s32 $0xFFFFFF80  }
0x85: {  	_ =	swait.ge [sflag:s8], $0x80  }
0x86: {  	[sflag:s8] =	ssyncset.done $0x0  }
0x87: {  	[sflag:s8] =	ssyncadd.s32 $0xFFFFFF80  }
0x88: {  	_ =	swait.ge [sflag:s8], $0x80  }
0x89: {  	[sflag:s8] =	ssyncset.done $0x0  }
0x8a: {  	[sflag:s8] =	ssyncadd.s32 $0xFFFFFF80  }
0x8b: {  	_ =	swait.ge [sflag:s8], $0x80  }
0x8c: {  	[sflag:s8] =	ssyncset.done $0x0  }
0x8d: {  	[sflag:s8] =	ssyncadd.s32 $0xFFFFFF80  }
0x8e: {  	_ =	swait.ge [sflag:s8], $0x80  }
0x8f: {  	[sflag:s8] =	ssyncset.done $0x0  }
0x90: {  	[sflag:s8] =	ssyncadd.s32 $0xFFFFFF80  }
0x91: {  	_ =	swait.ge [sflag:s8], $0x80  }
0x92: {  	[sflag:s8] =	ssyncset.done $0x0  }
0x93: {  	[sflag:s8] =	ssyncadd.s32 $0xFFFFFF80  }
0x94: {  	_ =	swait.ge [sflag:s8], $0x80  }
0x95: {  	[sflag:s8] =	ssyncset.done $0x0  }
0x96: {  	[sflag:s8] =	ssyncadd.s32 $0xFFFFFF80  }
0x97: {  	_ =	swait.ge [sflag:s8], $0x80  }
0x98: {  	[sflag:s8] =	ssyncset.done $0x0  }
0x99: {  	[sflag:s8] =	ssyncadd.s32 $0xFFFFFF80  }
0x9a: {  	_ =	swait.ge [sflag:s8], $0x80  }
0x9b: {  	[sflag:s8] =	ssyncset.done $0x0  }
0x9c: {  	[sflag:s8] =	ssyncadd.s32 $0xFFFFFF80  }
0x9d: {  	_ =	swait.ge [sflag:s8], $0x80  }
0x9e: {  	[sflag:s8] =	ssyncset.done $0x0  }
0x9f: {  	[sflag:s8] =	ssyncadd.s32 $0xFFFFFF80  }
0xa0: {  	_ =	swait.ge [sflag:s8], $0x80  }
0xa1: {  	s11 =	simm.s32 $0x1F;
	[sflag:s8] =	ssyncset.done $0x0  }
.LBB2_4:
0xa2: {  	p0 =	sne.s32 s11, $0x1;
	s11 =	sadd.s32 $0xFFFFFFFF, s11;
	[sflag:s8] =	ssyncadd.s32 $0xFFFFFF80  }
0xa3: {  	_ =	swait.ge [sflag:s8], $0x80  }
0xa4: {  	[sflag:s8] =	ssyncset.done $0x0  }
0xa5: {  	[sflag:s8] =	ssyncadd.s32 $0xFFFFFF80  }
0xa6: {  	_ =	swait.ge [sflag:s8], $0x80  }
0xa7: {  	[sflag:s8] =	ssyncset.done $0x0  }
0xa8: {  	[sflag:s8] =	ssyncadd.s32 $0xFFFFFF80  }
0xa9: {  	_ =	swait.ge [sflag:s8], $0x80  }
0xaa: {  	[sflag:s8] =	ssyncset.done $0x0  }
0xab: {  	[sflag:s8] =	ssyncadd.s32 $0xFFFFFF80  }
0xac: {  	_ =	swait.ge [sflag:s8], $0x80  }
0xad: {  	[sflag:s8] =	ssyncset.done $0x0  }
0xae: {  	[sflag:s8] =	ssyncadd.s32 $0xFFFFFF80  }
0xaf: {  	_ =	swait.ge [sflag:s8], $0x80  }
0xb0: {  	[sflag:s8] =	ssyncset.done $0x0  }
0xb1: {  	[sflag:s8] =	ssyncadd.s32 $0xFFFFFF80  }
0xb2: {  	_ =	swait.ge [sflag:s8], $0x80  }
0xb3: {  	[sflag:s8] =	ssyncset.done $0x0  }
0xb4: {  	[sflag:s8] =	ssyncadd.s32 $0xFFFFFF80  }
0xb5: {  	_ =	swait.ge [sflag:s8], $0x80  }
0xb6: {  	[sflag:s8] =	ssyncset.done $0x0  }
0xb7: {  	[sflag:s8] =	ssyncadd.s32 $0xFFFFFF80  }
0xb8: {  	_ =	swait.ge [sflag:s8], $0x80  }
0xb9: {  	[sflag:s8] =	ssyncset.done $0x0  }
0xba: {  	[sflag:s8] =	ssyncadd.s32 $0xFFFFFF80  }
0xbb: {  	_ =	swait.ge [sflag:s8], $0x80  }
0xbc: {  	[sflag:s8] =	ssyncset.done $0x0  }
0xbd: {  	[sflag:s8] =	ssyncadd.s32 $0xFFFFFF80  }
0xbe: {  	_ =	swait.ge [sflag:s8], $0x80  }
0xbf: {  	[sflag:s8] =	ssyncset.done $0x0  }
0xc0: {  	[sflag:s8] =	ssyncadd.s32 $0xFFFFFF80  }
0xc1: {  	_ =	swait.ge [sflag:s8], $0x80  }
0xc2: {  	[sflag:s8] =	ssyncset.done $0x0  }
0xc3: {  	[sflag:s8] =	ssyncadd.s32 $0xFFFFFF80  }
0xc4: {  	_ =	swait.ge [sflag:s8], $0x80  }
0xc5: {  	[sflag:s8] =	ssyncset.done $0x0  }
0xc6: {  	[sflag:s8] =	ssyncadd.s32 $0xFFFFFF80  }
0xc7: {  	_ =	swait.ge [sflag:s8], $0x80  }
0xc8: {  	[sflag:s8] =	ssyncset.done $0x0  }
0xc9: {  	[sflag:s8] =	ssyncadd.s32 $0xFFFFFF80  }
0xca: {  	_ =	swait.ge [sflag:s8], $0x80  }
0xcb: {  	[sflag:s8] =	ssyncset.done $0x0  }
0xcc: {  	[sflag:s8] =	ssyncadd.s32 $0xFFFFFF80  }
.Ltmp1:
0xcd: {  	_ =	swait.ge [sflag:s8], $0x80;
	(pc) =	sbr.rel @p0 .LBB2_4-.Ltmp1, $4  }
0xce: {  	[sflag:s8] =	ssyncset.done $0x0  }
0xcf: {  	[sflag:s8] =	ssyncadd.s32 $0xFFFFFF80  }
0xd0: {  	_ =	swait.ge [sflag:s8], $0x80  }
0xd1: {  	[sflag:s8] =	ssyncset.done $0x0  }
0xd2: {  	[sflag:s8] =	ssyncadd.s32 $0xFFFFFF80;
	s12 =	simm.s32 $0x0  }
0xd3: {  	v0 =	vld [tilespmem:s12+$0x200];
	_ =	sdelay $0x3  }
0xd4: {  	s11 =	simm.s32 $0x10240  }
0xd5: {  	[tilespmem:s11+$0xFFFFFFC0] =	vst v0  }
0xd6: {  	v0 =	vld [tilespmem:s12+$0x280];
	_ =	sdelay $0x4  }
0xd7: {  	[tilespmem:s11+$0x0] =	vst v0  }
0xd8: {  	v0 =	vld [tilespmem:s12+$0x210];
	_ =	sdelay $0x4  }
0xd9: {  	[tilespmem:s11+$0xFFFFFFD0] =	vst v0  }
0xda: {  	v0 =	vld [tilespmem:s12+$0x290];
	_ =	sdelay $0x4  }
0xdb: {  	[tilespmem:s11+$0x10] =	vst v0  }
0xdc: {  	v0 =	vld [tilespmem:s12+$0x220];
	_ =	sdelay $0x4  }
0xdd: {  	[tilespmem:s11+$0xFFFFFFE0] =	vst v0  }
0xde: {  	v0 =	vld [tilespmem:s12+$0x2A0];
	_ =	sdelay $0x4  }
0xdf: {  	[tilespmem:s11+$0x20] =	vst v0  }
0xe0: {  	v0 =	vld [tilespmem:s12+$0x230];
	_ =	sdelay $0x4  }
0xe1: {  	[tilespmem:s11+$0xFFFFFFF0] =	vst v0  }
0xe2: {  	v0 =	vld [tilespmem:s12+$0x2B0];
	_ =	sdelay $0x4  }
0xe3: {  	s13 =	simm.s32 $0x800;
	s12 =	simm.s32 $0x100;
	[tilespmem:s11+$0x30] =	vst v0  }
.LBB2_6:
0xe4: {  	p0 =	sne.s32 s13, $0x3FC00;
	v0 =	vld [tilespmem:s12+$0x200];
	_ =	sdelay $0x3  }
0xe5: {  	s11 =	sadd.s32 $0x80, s11  }
0xe6: {  	[tilespmem:s11+$0xFFFFFFC0] =	vst v0  }
0xe7: {  	v0 =	vld [tilespmem:s12+$0x280];
	_ =	sdelay $0x4  }
0xe8: {  	[tilespmem:s11+$0x0] =	vst v0  }
0xe9: {  	v0 =	vld [tilespmem:s12+$0x210];
	_ =	sdelay $0x4  }
0xea: {  	[tilespmem:s11+$0xFFFFFFD0] =	vst v0  }
0xeb: {  	v0 =	vld [tilespmem:s12+$0x290];
	_ =	sdelay $0x4  }
0xec: {  	[tilespmem:s11+$0x10] =	vst v0  }
0xed: {  	v0 =	vld [tilespmem:s12+$0x220];
	_ =	sdelay $0x4  }
0xee: {  	[tilespmem:s11+$0xFFFFFFE0] =	vst v0  }
0xef: {  	v0 =	vld [tilespmem:s12+$0x2A0];
	_ =	sdelay $0x4  }
0xf0: {  	[tilespmem:s11+$0x20] =	vst v0  }
0xf1: {  	v0 =	vld [tilespmem:s12+$0x230];
	_ =	sdelay $0x4  }
0xf2: {  	[tilespmem:s11+$0xFFFFFFF0] =	vst v0  }
0xf3: {  	v0 =	vld [tilespmem:s12+$0x2B0]  }
.Ltmp2:
0xf4: {  	(pc) =	sbr.rel @p0 .LBB2_6-.Ltmp2, $2  }
0xf5: {  	_ =	sdelay $0x2  }
0xf6: {  	s12 =	sshra.s32 s13, $0x2;
	s13 =	sadd.s32 $0x400, s13;
	[tilespmem:s11+$0x30] =	vst v0  }
0xf7: {  	v0 =	vld [tilespmem:s12+$0x200];
	_ =	sdelay $0x3  }
0xf8: {  	s11 =	sadd.s32 $0x80, s11  }
0xf9: {  	[tilespmem:s11+$0xFFFFFFC0] =	vst v0  }
0xfa: {  	v0 =	vld [tilespmem:s12+$0x280];
	_ =	sdelay $0x4  }
0xfb: {  	[tilespmem:s11+$0x0] =	vst v0  }
0xfc: {  	v0 =	vld [tilespmem:s12+$0x210];
	_ =	sdelay $0x4  }
0xfd: {  	[tilespmem:s11+$0xFFFFFFD0] =	vst v0  }
0xfe: {  	v0 =	vld [tilespmem:s12+$0x290];
	_ =	sdelay $0x4  }
0xff: {  	[tilespmem:s11+$0x10] =	vst v0  }
0x100: {  	v0 =	vld [tilespmem:s12+$0x220];
	_ =	sdelay $0x4  }
0x101: {  	[tilespmem:s11+$0xFFFFFFE0] =	vst v0  }
0x102: {  	v0 =	vld [tilespmem:s12+$0x2A0];
	_ =	sdelay $0x4  }
0x103: {  	[tilespmem:s11+$0x20] =	vst v0  }
0x104: {  	v0 =	vld [tilespmem:s12+$0x230];
	_ =	sdelay $0x4  }
0x105: {  	[tilespmem:s11+$0xFFFFFFF0] =	vst v0  }
0x106: {  	v0 =	vld [tilespmem:s12+$0x2B0];
	_ =	sdelay $0x2  }
0x107: {  	s10 =	sadd.s32 $0x1, s10  }
0x108: {  	p0 =	sne.s32 s10, s6  }
.Ltmp3:
0x109: {  	[tilespmem:s11+$0x30] =	vst v0;
	(pc) =	sbr.rel @p0 .LBB2_1-.Ltmp3, $4  }
0x10a: {  	[hbm4b:s5+s2] =	stream.linear.scatter [tilespmem:s9], [sflag:$0x2], $0x8000, $0x38;
	[tilespmem:$0x18200] =	vst v63  }
0x10b: {  	_ =	swait.ge [sflag:s7], $0x8000  }
0x10c: {  	[sflag:s7] =	ssyncset.done $0x0  }
0x10d: {  	[sflag:s7] =	ssyncadd.s32 $0xFFFF8000  }
0x10e: {  	_ =	sfence.sel $0x180000  }
0x10f: {  	[bflag:$0x0] =	sbarrier.arrive $0xFFFF  }
0x110: {  	p0 =	sne.s32 s1, $0x0;
	_ =	strace $0x90000047  }
0x111: {  	s0 =	sadd.s32 @!p0 $0x100000, s0;
	[bflag:$0x2] =	sbarrier.arrive $0xFFFF  }
0x112: {  	[sflag:s0] =	ssyncadd.tile.s32 @!p0 $0x1;
	_ =	shalt  }
.Lfunc_end2:
_tile_overlayer_lowered:
.L_overlay_start_2:
0x113: {  	(tag) =	ssettag $0x2  }
0x114: {  	s0 =	rddreg [dreg:$0x0];
	s2 =	stileid.u32  }
0x115: {  	s1 =	rddreg [dreg:$0x1];
	p0 =	sne.s32 s2, $0x0  }
0x116: {  	s3 =	rddreg [dreg:$0x2];
	[bflag:$0x3] =	sbarrier.arrive $0xFFFF;
	s2 =	simm.s32 @!p0 $0x1C02  }
0x117: {  	[timem:s3], [sflag:s2] =	dma.local @!p0 [hbm:s0], s1  }
0x118: {  	s0 =	simm.s32 @!p0 $0x2  }
0x119: {  	_ =	swait.ge @!p0 [sflag:s0], s1  }
0x11a: {  	s1 =	ssub.s32 @!p0 $0x0, s1;
	[sflag:s0] =	ssyncset.done @!p0 $0x0  }
0x11b: {  	[sflag:s0] =	ssyncadd.s32 @!p0 s1  }
0x11c: {  	[bflag:$0x3] =	sbarrier.arrive $0xFFFF  }
0x11d: {  	_ =	shalt  }

</sc_bundles>
